<compile_context>
chip_gen: v7x
topology: tpu7x:2x2x1
jax: 0.10.2.dev20260603
libtpu: 0.0.44.dev20260713+nightly
codegen_flags: <defaults>
</compile_context>

<pallas_src>
import functools

import jax
import jax.numpy as jnp
from jax import lax
from jax.experimental import pallas as pl
from jax.experimental.pallas import tpu as pltpu
from jax.experimental.pallas import tpu_sc as plsc

N_NODES = 10000
N_EDGES = 320000
D = 128

NC = 2
NS = 16
CHUNK = 128
SLAB = 40
NSLAB = 2
NCH = NSLAB * SLAB
E_PAD = NC * NS * NCH * CHUNK
NCHT = E_PAD // CHUNK
N_PAD = 10240
ROWS_PER_TILE = N_PAD // NS
NBUF = 2

_mesh = plsc.VectorSubcoreMesh(
    core_axis_name="c", subcore_axis_name="s", num_cores=NC, num_subcores=NS
)


@functools.partial(
    pl.kernel,
    out_type=jax.ShapeDtypeStruct((NC, N_PAD, D), jnp.float32),
    mesh=_mesh,
    scratch_types=[
        pltpu.VMEM_SHARED((N_PAD, D), jnp.float32),
        pltpu.VMEM((SLAB * CHUNK,), jnp.int32),
        pltpu.VMEM((SLAB, CHUNK), jnp.int32),
        [pltpu.VMEM((CHUNK, D), jnp.float32)] * NBUF,
        pltpu.SemaphoreType.DMA,
    ],
)
def _sc_segment_sum(x_hbm, src_hbm, dst_hbm, out_hbm, acc, srcs_v, dsts_v,
                    rows, sem_g):
    c = lax.axis_index("c")
    s = lax.axis_index("s")

    @pl.loop(0, CHUNK)
    def _(i):
        @pl.loop(0, D, step=16)
        def _(j):
            rows[0][i, pl.ds(j, 16)] = jnp.zeros((16,), jnp.float32)

    row0 = s * ROWS_PER_TILE

    @pl.loop(0, ROWS_PER_TILE, step=CHUNK)
    def _(r):
        pltpu.sync_copy(rows[0], acc.at[pl.ds(row0 + r, CHUNK)])

    plsc.subcore_barrier()

    def gather(j, b):
        pltpu.async_copy(
            x_hbm.at[srcs_v.at[pl.ds(j * CHUNK, CHUNK)]], rows[b], sem_g)

    def wait_gather(j, b):
        pltpu.make_async_copy(
            x_hbm.at[srcs_v.at[pl.ds(j * CHUNK, CHUNK)]], rows[b],
            sem_g).wait()

    chunk0 = (c * NS + s) * NCH

    for k in range(NSLAB):
        srow = chunk0 + k * SLAB
        pltpu.sync_copy(src_hbm.at[pl.ds(srow * CHUNK, SLAB * CHUNK)], srcs_v)
        pltpu.sync_copy(dst_hbm.at[pl.ds(srow, SLAB)], dsts_v)

        for b in range(NBUF):
            gather(b, b)

        @pl.loop(0, (SLAB - NBUF) // NBUF)
        def _(go):
            for b in range(NBUF):
                j = go * NBUF + b
                wait_gather(j, b)
                pltpu.sync_copy(rows[b], acc.at[dsts_v.at[j]], add=True)
                gather(j + NBUF, b)

        for b in range(NBUF):
            j = SLAB - NBUF + b
            wait_gather(j, b)
            pltpu.sync_copy(rows[b], acc.at[dsts_v.at[j]], add=True)

    plsc.subcore_barrier()

    pltpu.sync_copy(acc.at[pl.ds(row0, ROWS_PER_TILE)],
                    out_hbm.at[c, pl.ds(row0, ROWS_PER_TILE)])


_BR = 2000


def _mm_body(p_ref, wt_ref, o_ref):
    h = p_ref[0] + p_ref[1]
    o_ref[...] = jax.lax.dot(h, wt_ref[...],
                             precision=jax.lax.Precision.HIGHEST,
                             preferred_element_type=jnp.float32)


def _tc_linear(partial, wt):
    return pl.pallas_call(
        _mm_body,
        out_shape=jax.ShapeDtypeStruct((N_NODES, D), jnp.float32),
        grid=(N_NODES // _BR,),
        in_specs=[
            pl.BlockSpec((NC, _BR, D), lambda r: (0, r, 0)),
            pl.BlockSpec((D, D), lambda r: (0, 0)),
        ],
        out_specs=pl.BlockSpec((_BR, D), lambda r: (r, 0)),
    )(partial, wt)


def kernel(x, edge_index, W):
    ei = edge_index.astype(jnp.int32)
    npad = E_PAD - N_EDGES
    it = jnp.arange(npad, dtype=jnp.int32)
    pad = jnp.stack([
        it % N_NODES,
        N_NODES + it % (N_PAD - N_NODES),
    ])
    ei = jnp.concatenate([ei, pad], axis=1)
    partial = _sc_segment_sum(x, ei[0], ei[1].reshape(NCHT, CHUNK))
    return _tc_linear(partial, W.T)

# --- scband reference (transcript-rebuilt; emitter-appended) ---
"""Pipeline reference for scband-gcnlayer-63513976373549 (READ-ONLY COPY).

The authoritative reference and input builder live on the scoring server;
editing this copy changes nothing except your own understanding.
"""

import jax, jax.numpy as jnp
import numpy as np

N_NODES = 10000
N_EDGES = 320000
D_IN = 128
D_OUT = 128

def setup_inputs(seed: int = 0) -> dict:
    key = jax.random.key(seed)
    k1, k2, k3 = jax.random.split(key, 3)
    x = jax.random.normal(k1, (N_NODES, D_IN), dtype=jnp.float32)
    edge_index = jax.random.randint(k2, (2, N_EDGES), 0, N_NODES, dtype=jnp.int64)
    # nn.Linear(in_dim, out_dim, bias=False) weight: [out_dim, in_dim]
    W = jax.random.normal(k3, (D_OUT, D_IN), dtype=jnp.float32) * (1.0 / np.sqrt(D_IN))
    return {"x": x, "edge_index": edge_index, "W": W}

def reference(x, edge_index, W):
    # DGL update_all with copy_src message + sum reduce:
    # each edge carries src node feature; dst node sums incoming messages.
    src = edge_index[0]
    dst = edge_index[1]
    m = jnp.take(x, src, axis=0)                      # gather src features per edge
    h = jax.ops.segment_sum(m, dst, num_segments=x.shape[0])  # scatter-add to dst
    # apply_nodes: linear (no bias), activation=None
    h = h @ W.T
    return h

if __name__ == "__main__":
    import jax
    _d = setup_inputs()
    print(jax.jit(kernel)(*tuple(_d.values())))

</pallas_src>

<mosaic_0001>
#map = affine_map<(d0, d1) -> (0, 0)>
#map1 = affine_map<(d0, d1) -> (0)>
#map2 = affine_map<(d0, d1) -> (0, 0, 0)>
module attributes {stable_mosaic.version = 14 : i64} {
  func.func @_sc_segment_sum(%arg0: i32, %arg1: i32, %arg2: memref<10000x128xf32, #tpu.memory_space<hbm>>, %arg3: memref<327680xi32, #tpu.memory_space<hbm>>, %arg4: memref<2560x128xi32, #tpu.memory_space<hbm>>, %arg5: memref<2x10240x128xf32, #tpu.memory_space<hbm>>, %arg6: memref<10240x128xf32, #tpu.memory_space<vmem_shared>>, %arg7: memref<5120xi32, #tpu.memory_space<vmem>>, %arg8: memref<40x128xi32, #tpu.memory_space<vmem>>, %arg9: memref<128x128xf32, #tpu.memory_space<vmem>>, %arg10: memref<128x128xf32, #tpu.memory_space<vmem>>, %arg11: memref<!tpu.dma_semaphore, #tpu.memory_space<semaphore_mem>>) attributes {dimension_semantics = [#tpu.dimension_semantics<core_parallel>, #tpu.dimension_semantics<subcore_parallel>], iteration_bounds = array<i64: 2, 16>, scalar_prefetch = 0 : i64, scratch_operands = 6 : i64, tpu.core_type = #tpu.core_type<sc_vector_subcore>, window_params = [{transform_indices = #map}, {transform_indices = #map1}, {transform_indices = #map}, {transform_indices = #map2}]} {
    %scan3A = arith.constant 0 : i32
    %scan3A_0 = arith.constant 128 : i32
    %scan3A_1 = arith.addi %scan3A, %scan3A_0 : i32
    %scan3A_2 = arith.constant 1 : i32
    scf.for %scan3A_74 = %scan3A to %scan3A_1 step %scan3A_2  : i32 {
      %mul3A_75 = arith.constant 1 : i32
      %mul3A_76 = arith.muli %scan3A_74, %mul3A_75 : i32
      %add3A_77 = arith.constant 0 : i32
      %add3A_78 = arith.addi %add3A_77, %mul3A_76 : i32
      %scan3A_79 = arith.constant 0 : i32
      %scan3A_80 = arith.constant 8 : i32
      %scan3A_81 = arith.addi %scan3A_79, %scan3A_80 : i32
      %scan3A_82 = arith.constant 1 : i32
      scf.for %scan3A_84 = %scan3A_79 to %scan3A_81 step %scan3A_82  : i32 {
        %mul3A_85 = arith.constant 16 : i32
        %mul3A_86 = arith.muli %scan3A_84, %mul3A_85 : i32
        %add3A_87 = arith.constant 0 : i32
        %add3A_88 = arith.addi %add3A_87, %mul3A_86 : i32
        %broadcast_in_dim3A = arith.constant 0.000000e+00 : f32
        %broadcast_in_dim3A_89 = vector.broadcast %broadcast_in_dim3A : f32 to vector<16xf32>
        %swap3A = arith.index_cast %add3A_78 : i32 to index
        %swap3A_90 = arith.index_cast %add3A_88 : i32 to index
        %swap3A_91 = tpu.vector_load %arg9[%swap3A, %swap3A_90] {strides = array<i32>} : memref<128x128xf32, #tpu.memory_space<vmem>>, vector<1x16xf32>,
        %swap3A_92 = vector.shape_cast %swap3A_91 : vector<1x16xf32> to vector<16xf32>
        %swap3A_93 = vector.shape_cast %broadcast_in_dim3A_89 : vector<16xf32> to vector<1x16xf32>
        tpu.vector_store %arg9[%swap3A, %swap3A_90], %swap3A_93 {strides = array<i32>} : memref<128x128xf32, #tpu.memory_space<vmem>>, vector<1x16xf32>,
      }
      %scan3A_83 = arith.constant 8 : i32
    }
    %scan3A_3 = arith.constant 128 : i32
    %mul3A = arith.constant 640 : i32
    %mul3A_4 = arith.muli %arg1, %mul3A : i32
    %scan3A_5 = arith.constant 0 : i32
    %scan3A_6 = arith.constant 5 : i32
    %scan3A_7 = arith.addi %scan3A_5, %scan3A_6 : i32
    %scan3A_8 = arith.constant 1 : i32
    scf.for %scan3A_74 = %scan3A_5 to %scan3A_7 step %scan3A_8  : i32 {
      %mul3A_75 = arith.constant 128 : i32
      %mul3A_76 = arith.muli %scan3A_74, %mul3A_75 : i32
      %add3A_77 = arith.constant 0 : i32
      %add3A_78 = arith.addi %add3A_77, %mul3A_76 : i32
      %add3A_79 = arith.addi %mul3A_4, %add3A_78 : i32
      "tpu.region"() ({
        %run_scoped3A_80 = tpu.sem_alloc : memref<!tpu.dma_semaphore, #tpu.memory_space<semaphore_mem>>
        %dma_start3A_81 = arith.constant 0 : i32
        %dma_start3A_82 = tpu.memref_slice %arg6[%add3A_79, %dma_start3A_81] : memref<10240x128xf32, #tpu.memory_space<vmem_shared>> -> memref<128x128xf32, #tpu.memory_space<vmem_shared>>
        %dma_start3A_83 = arith.constant 0 : i32
        %dma_start3A_84 = tpu.memref_slice %arg6[%add3A_79, %dma_start3A_83] : memref<10240x128xf32, #tpu.memory_space<vmem_shared>> -> memref<128x128xf32, #tpu.memory_space<vmem_shared>>
        tpu.enqueue_dma source(%arg9 : memref<128x128xf32, #tpu.memory_space<vmem>>) target(%dma_start3A_84 : memref<128x128xf32, #tpu.memory_space<vmem_shared>>) target_semaphore(%run_scoped3A_80 : memref<!tpu.dma_semaphore, #tpu.memory_space<semaphore_mem>>)
        %dma_wait3A_85 = arith.constant 0 : i32
        %dma_wait3A_86 = tpu.memref_slice %arg6[%add3A_79, %dma_wait3A_85] : memref<10240x128xf32, #tpu.memory_space<vmem_shared>> -> memref<128x128xf32, #tpu.memory_space<vmem_shared>>
        %dma_wait3A_87 = arith.constant 0 : i32
        %dma_wait3A_88 = tpu.memref_slice %arg6[%add3A_79, %dma_wait3A_87] : memref<10240x128xf32, #tpu.memory_space<vmem_shared>> -> memref<128x128xf32, #tpu.memory_space<vmem_shared>>
        tpu.wait_dma2 semaphore(%run_scoped3A_80 : memref<!tpu.dma_semaphore, #tpu.memory_space<semaphore_mem>>) src(%arg9 : memref<128x128xf32, #tpu.memory_space<vmem>>) dst(%dma_wait3A_88 : memref<128x128xf32, #tpu.memory_space<vmem_shared>>)
        tpu.yield
      }) : () -> ()
    }
    %scan3A_9 = arith.constant 5 : i32
    %barrier3A = arith.constant 0 : index
    tpu.barrier barrier_id(%barrier3A)
    %mul3A_10 = arith.constant 16 : i32
    %mul3A_11 = arith.muli %arg0, %mul3A_10 : i32
    %add3A = arith.addi %mul3A_11, %arg1 : i32
    %mul3A_12 = arith.constant 80 : i32
    %mul3A_13 = arith.muli %add3A, %mul3A_12 : i32
    %add3A_14 = arith.constant 0 : i32
    %add3A_15 = arith.addi %mul3A_13, %add3A_14 : i32
    %mul3A_16 = arith.constant 128 : i32
    %mul3A_17 = arith.muli %add3A_15, %mul3A_16 : i32
    "tpu.region"() ({
      %run_scoped3A_74 = tpu.sem_alloc : memref<!tpu.dma_semaphore, #tpu.memory_space<semaphore_mem>>
      %dma_start3A_75 = tpu.memref_slice %arg3[%mul3A_17] : memref<327680xi32, #tpu.memory_space<hbm>> -> memref<5120xi32, #tpu.memory_space<hbm>>
      %dma_start3A_76 = tpu.memref_slice %arg3[%mul3A_17] : memref<327680xi32, #tpu.memory_space<hbm>> -> memref<5120xi32, #tpu.memory_space<hbm>>
      tpu.enqueue_dma source(%dma_start3A_76 : memref<5120xi32, #tpu.memory_space<hbm>>) target(%arg7 : memref<5120xi32, #tpu.memory_space<vmem>>) target_semaphore(%run_scoped3A_74 : memref<!tpu.dma_semaphore, #tpu.memory_space<semaphore_mem>>)
      %dma_wait3A_77 = tpu.memref_slice %arg3[%mul3A_17] : memref<327680xi32, #tpu.memory_space<hbm>> -> memref<5120xi32, #tpu.memory_space<hbm>>
      %dma_wait3A_78 = tpu.memref_slice %arg3[%mul3A_17] : memref<327680xi32, #tpu.memory_space<hbm>> -> memref<5120xi32, #tpu.memory_space<hbm>>
      tpu.wait_dma2 semaphore(%run_scoped3A_74 : memref<!tpu.dma_semaphore, #tpu.memory_space<semaphore_mem>>) src(%dma_wait3A_78 : memref<5120xi32, #tpu.memory_space<hbm>>) dst(%arg7 : memref<5120xi32, #tpu.memory_space<vmem>>)
      tpu.yield
    }) : () -> ()
    "tpu.region"() ({
      %run_scoped3A_74 = tpu.sem_alloc : memref<!tpu.dma_semaphore, #tpu.memory_space<semaphore_mem>>
      %dma_start3A_75 = arith.constant 0 : i32
      %dma_start3A_76 = tpu.memref_slice %arg4[%add3A_15, %dma_start3A_75] : memref<2560x128xi32, #tpu.memory_space<hbm>> -> memref<40x128xi32, #tpu.memory_space<hbm>>
      %dma_start3A_77 = arith.constant 0 : i32
      %dma_start3A_78 = tpu.memref_slice %arg4[%add3A_15, %dma_start3A_77] : memref<2560x128xi32, #tpu.memory_space<hbm>> -> memref<40x128xi32, #tpu.memory_space<hbm>>
      tpu.enqueue_dma source(%dma_start3A_78 : memref<40x128xi32, #tpu.memory_space<hbm>>) target(%arg8 : memref<40x128xi32, #tpu.memory_space<vmem>>) target_semaphore(%run_scoped3A_74 : memref<!tpu.dma_semaphore, #tpu.memory_space<semaphore_mem>>)
      %dma_wait3A_79 = arith.constant 0 : i32
      %dma_wait3A_80 = tpu.memref_slice %arg4[%add3A_15, %dma_wait3A_79] : memref<2560x128xi32, #tpu.memory_space<hbm>> -> memref<40x128xi32, #tpu.memory_space<hbm>>
      %dma_wait3A_81 = arith.constant 0 : i32
      %dma_wait3A_82 = tpu.memref_slice %arg4[%add3A_15, %dma_wait3A_81] : memref<2560x128xi32, #tpu.memory_space<hbm>> -> memref<40x128xi32, #tpu.memory_space<hbm>>
      tpu.wait_dma2 semaphore(%run_scoped3A_74 : memref<!tpu.dma_semaphore, #tpu.memory_space<semaphore_mem>>) src(%dma_wait3A_82 : memref<40x128xi32, #tpu.memory_space<hbm>>) dst(%arg8 : memref<40x128xi32, #tpu.memory_space<vmem>>)
      tpu.yield
    }) : () -> ()
    %dma_start3A = arith.constant 0 : i32
    %dma_start3A_18 = tpu.memref_slice %arg7[%dma_start3A] : memref<5120xi32, #tpu.memory_space<vmem>> -> memref<128xi32, #tpu.memory_space<vmem>>
    %dma_start3A_19 = arith.constant 0 : i32
    %dma_start3A_20 = arith.constant 0 : i32
    %dma_start3A_21 = tpu.memref_slice %arg2[%dma_start3A_19, %dma_start3A_20] : memref<10000x128xf32, #tpu.memory_space<hbm>> -> memref<10000x128xf32, #tpu.memory_space<hbm>>
    tpu.enqueue_indirect_dma source(%dma_start3A_21 : memref<10000x128xf32, #tpu.memory_space<hbm>>) target(%arg9 : memref<128x128xf32, #tpu.memory_space<vmem>>) offsets(%dma_start3A_18 : memref<128xi32, #tpu.memory_space<vmem>>) semaphore(%arg11 : memref<!tpu.dma_semaphore, #tpu.memory_space<semaphore_mem>>)
    %dma_start3A_22 = arith.constant 128 : i32
    %dma_start3A_23 = tpu.memref_slice %arg7[%dma_start3A_22] : memref<5120xi32, #tpu.memory_space<vmem>> -> memref<128xi32, #tpu.memory_space<vmem>>
    %dma_start3A_24 = arith.constant 0 : i32
    %dma_start3A_25 = arith.constant 0 : i32
    %dma_start3A_26 = tpu.memref_slice %arg2[%dma_start3A_24, %dma_start3A_25] : memref<10000x128xf32, #tpu.memory_space<hbm>> -> memref<10000x128xf32, #tpu.memory_space<hbm>>
    tpu.enqueue_indirect_dma source(%dma_start3A_26 : memref<10000x128xf32, #tpu.memory_space<hbm>>) target(%arg10 : memref<128x128xf32, #tpu.memory_space<vmem>>) offsets(%dma_start3A_23 : memref<128xi32, #tpu.memory_space<vmem>>) semaphore(%arg11 : memref<!tpu.dma_semaphore, #tpu.memory_space<semaphore_mem>>)
    %scan3A_27 = arith.constant 0 : i32
    %scan3A_28 = arith.constant 19 : i32
    %scan3A_29 = arith.addi %scan3A_27, %scan3A_28 : i32
    %scan3A_30 = arith.constant 1 : i32
    scf.for %scan3A_74 = %scan3A_27 to %scan3A_29 step %scan3A_30  : i32 {
      %mul3A_75 = arith.constant 1 : i32
      %mul3A_76 = arith.muli %scan3A_74, %mul3A_75 : i32
      %add3A_77 = arith.constant 0 : i32
      %add3A_78 = arith.addi %add3A_77, %mul3A_76 : i32
      %mul3A_79 = arith.constant 2 : i32
      %mul3A_80 = arith.muli %add3A_78, %mul3A_79 : i32
      %add3A_81 = arith.constant 0 : i32
      %add3A_82 = arith.addi %mul3A_80, %add3A_81 : i32
      %mul3A_83 = arith.constant 128 : i32
      %mul3A_84 = arith.muli %add3A_82, %mul3A_83 : i32
      %dma_wait3A_85 = tpu.memref_slice %arg7[%mul3A_84] : memref<5120xi32, #tpu.memory_space<vmem>> -> memref<128xi32, #tpu.memory_space<vmem>>
      %dma_wait3A_86 = arith.constant 0 : i32
      %dma_wait3A_87 = arith.constant 0 : i32
      %dma_wait3A_88 = tpu.memref_slice %arg2[%dma_wait3A_86, %dma_wait3A_87] : memref<10000x128xf32, #tpu.memory_space<hbm>> -> memref<10000x128xf32, #tpu.memory_space<hbm>>
      tpu.wait_indirect_dma semaphore(%arg11 : memref<!tpu.dma_semaphore, #tpu.memory_space<semaphore_mem>>) src(%dma_wait3A_88 : memref<10000x128xf32, #tpu.memory_space<hbm>>) dst(%arg9 : memref<128x128xf32, #tpu.memory_space<vmem>>)
      "tpu.region"() ({
        %run_scoped3A_115 = tpu.sem_alloc : memref<!tpu.dma_semaphore, #tpu.memory_space<semaphore_mem>>
        %dma_start3A_116 = arith.constant 0 : i32
        %dma_start3A_117 = tpu.memref_slice %arg8[%add3A_82, %dma_start3A_116] : memref<40x128xi32, #tpu.memory_space<vmem>> -> memref<1x128xi32, #tpu.memory_space<vmem>>
        %dma_start3A_118 = tpu.memref_squeeze %dma_start3A_117 : memref<1x128xi32, #tpu.memory_space<vmem>> -> memref<128xi32, #tpu.memory_space<vmem>>
        %dma_start3A_119 = arith.constant 0 : i32
        %dma_start3A_120 = arith.constant 0 : i32
        %dma_start3A_121 = tpu.memref_slice %arg6[%dma_start3A_119, %dma_start3A_120] : memref<10240x128xf32, #tpu.memory_space<vmem_shared>> -> memref<10240x128xf32, #tpu.memory_space<vmem_shared>>
        tpu.enqueue_indirect_dma source(%arg9 : memref<128x128xf32, #tpu.memory_space<vmem>>) target(%dma_start3A_121 : memref<10240x128xf32, #tpu.memory_space<vmem_shared>>) offsets(%dma_start3A_118 : memref<128xi32, #tpu.memory_space<vmem>>) semaphore(%run_scoped3A_115 : memref<!tpu.dma_semaphore, #tpu.memory_space<semaphore_mem>>) {add = true}
        %dma_wait3A_122 = arith.constant 0 : i32
        %dma_wait3A_123 = tpu.memref_slice %arg8[%add3A_82, %dma_wait3A_122] : memref<40x128xi32, #tpu.memory_space<vmem>> -> memref<1x128xi32, #tpu.memory_space<vmem>>
        %dma_wait3A_124 = tpu.memref_squeeze %dma_wait3A_123 : memref<1x128xi32, #tpu.memory_space<vmem>> -> memref<128xi32, #tpu.memory_space<vmem>>
        %dma_wait3A_125 = arith.constant 0 : i32
        %dma_wait3A_126 = arith.constant 0 : i32
        %dma_wait3A_127 = tpu.memref_slice %arg6[%dma_wait3A_125, %dma_wait3A_126] : memref<10240x128xf32, #tpu.memory_space<vmem_shared>> -> memref<10240x128xf32, #tpu.memory_space<vmem_shared>>
        tpu.wait_indirect_dma semaphore(%run_scoped3A_115 : memref<!tpu.dma_semaphore, #tpu.memory_space<semaphore_mem>>) src(%arg9 : memref<128x128xf32, #tpu.memory_space<vmem>>) dst(%dma_wait3A_127 : memref<10240x128xf32, #tpu.memory_space<vmem_shared>>)
        tpu.yield
      }) : () -> ()
      %add3A_89 = arith.constant 2 : i32
      %add3A_90 = arith.addi %add3A_82, %add3A_89 : i32
      %mul3A_91 = arith.constant 128 : i32
      %mul3A_92 = arith.muli %add3A_90, %mul3A_91 : i32
      %dma_start3A_93 = tpu.memref_slice %arg7[%mul3A_92] : memref<5120xi32, #tpu.memory_space<vmem>> -> memref<128xi32, #tpu.memory_space<vmem>>
      %dma_start3A_94 = arith.constant 0 : i32
      %dma_start3A_95 = arith.constant 0 : i32
      %dma_start3A_96 = tpu.memref_slice %arg2[%dma_start3A_94, %dma_start3A_95] : memref<10000x128xf32, #tpu.memory_space<hbm>> -> memref<10000x128xf32, #tpu.memory_space<hbm>>
      tpu.enqueue_indirect_dma source(%dma_start3A_96 : memref<10000x128xf32, #tpu.memory_space<hbm>>) target(%arg9 : memref<128x128xf32, #tpu.memory_space<vmem>>) offsets(%dma_start3A_93 : memref<128xi32, #tpu.memory_space<vmem>>) semaphore(%arg11 : memref<!tpu.dma_semaphore, #tpu.memory_space<semaphore_mem>>)
      %mul3A_97 = arith.constant 2 : i32
      %mul3A_98 = arith.muli %add3A_78, %mul3A_97 : i32
      %add3A_99 = arith.constant 1 : i32
      %add3A_100 = arith.addi %mul3A_98, %add3A_99 : i32
      %mul3A_101 = arith.constant 128 : i32
      %mul3A_102 = arith.muli %add3A_100, %mul3A_101 : i32
      %dma_wait3A_103 = tpu.memref_slice %arg7[%mul3A_102] : memref<5120xi32, #tpu.memory_space<vmem>> -> memref<128xi32, #tpu.memory_space<vmem>>
      %dma_wait3A_104 = arith.constant 0 : i32
      %dma_wait3A_105 = arith.constant 0 : i32
      %dma_wait3A_106 = tpu.memref_slice %arg2[%dma_wait3A_104, %dma_wait3A_105] : memref<10000x128xf32, #tpu.memory_space<hbm>> -> memref<10000x128xf32, #tpu.memory_space<hbm>>
      tpu.wait_indirect_dma semaphore(%arg11 : memref<!tpu.dma_semaphore, #tpu.memory_space<semaphore_mem>>) src(%dma_wait3A_106 : memref<10000x128xf32, #tpu.memory_space<hbm>>) dst(%arg10 : memref<128x128xf32, #tpu.memory_space<vmem>>)
      "tpu.region"() ({
        %run_scoped3A_115 = tpu.sem_alloc : memref<!tpu.dma_semaphore, #tpu.memory_space<semaphore_mem>>
        %dma_start3A_116 = arith.constant 0 : i32
        %dma_start3A_117 = tpu.memref_slice %arg8[%add3A_100, %dma_start3A_116] : memref<40x128xi32, #tpu.memory_space<vmem>> -> memref<1x128xi32, #tpu.memory_space<vmem>>
        %dma_start3A_118 = tpu.memref_squeeze %dma_start3A_117 : memref<1x128xi32, #tpu.memory_space<vmem>> -> memref<128xi32, #tpu.memory_space<vmem>>
        %dma_start3A_119 = arith.constant 0 : i32
        %dma_start3A_120 = arith.constant 0 : i32
        %dma_start3A_121 = tpu.memref_slice %arg6[%dma_start3A_119, %dma_start3A_120] : memref<10240x128xf32, #tpu.memory_space<vmem_shared>> -> memref<10240x128xf32, #tpu.memory_space<vmem_shared>>
        tpu.enqueue_indirect_dma source(%arg10 : memref<128x128xf32, #tpu.memory_space<vmem>>) target(%dma_start3A_121 : memref<10240x128xf32, #tpu.memory_space<vmem_shared>>) offsets(%dma_start3A_118 : memref<128xi32, #tpu.memory_space<vmem>>) semaphore(%run_scoped3A_115 : memref<!tpu.dma_semaphore, #tpu.memory_space<semaphore_mem>>) {add = true}
        %dma_wait3A_122 = arith.constant 0 : i32
        %dma_wait3A_123 = tpu.memref_slice %arg8[%add3A_100, %dma_wait3A_122] : memref<40x128xi32, #tpu.memory_space<vmem>> -> memref<1x128xi32, #tpu.memory_space<vmem>>
        %dma_wait3A_124 = tpu.memref_squeeze %dma_wait3A_123 : memref<1x128xi32, #tpu.memory_space<vmem>> -> memref<128xi32, #tpu.memory_space<vmem>>
        %dma_wait3A_125 = arith.constant 0 : i32
        %dma_wait3A_126 = arith.constant 0 : i32
        %dma_wait3A_127 = tpu.memref_slice %arg6[%dma_wait3A_125, %dma_wait3A_126] : memref<10240x128xf32, #tpu.memory_space<vmem_shared>> -> memref<10240x128xf32, #tpu.memory_space<vmem_shared>>
        tpu.wait_indirect_dma semaphore(%run_scoped3A_115 : memref<!tpu.dma_semaphore, #tpu.memory_space<semaphore_mem>>) src(%arg10 : memref<128x128xf32, #tpu.memory_space<vmem>>) dst(%dma_wait3A_127 : memref<10240x128xf32, #tpu.memory_space<vmem_shared>>)
        tpu.yield
      }) : () -> ()
      %add3A_107 = arith.constant 2 : i32
      %add3A_108 = arith.addi %add3A_100, %add3A_107 : i32
      %mul3A_109 = arith.constant 128 : i32
      %mul3A_110 = arith.muli %add3A_108, %mul3A_109 : i32
      %dma_start3A_111 = tpu.memref_slice %arg7[%mul3A_110] : memref<5120xi32, #tpu.memory_space<vmem>> -> memref<128xi32, #tpu.memory_space<vmem>>
      %dma_start3A_112 = arith.constant 0 : i32
      %dma_start3A_113 = arith.constant 0 : i32
      %dma_start3A_114 = tpu.memref_slice %arg2[%dma_start3A_112, %dma_start3A_113] : memref<10000x128xf32, #tpu.memory_space<hbm>> -> memref<10000x128xf32, #tpu.memory_space<hbm>>
      tpu.enqueue_indirect_dma source(%dma_start3A_114 : memref<10000x128xf32, #tpu.memory_space<hbm>>) target(%arg10 : memref<128x128xf32, #tpu.memory_space<vmem>>) offsets(%dma_start3A_111 : memref<128xi32, #tpu.memory_space<vmem>>) semaphore(%arg11 : memref<!tpu.dma_semaphore, #tpu.memory_space<semaphore_mem>>)
    }
    %scan3A_31 = arith.constant 19 : i32
    %dma_wait3A = arith.constant 4864 : i32
    %dma_wait3A_32 = tpu.memref_slice %arg7[%dma_wait3A] : memref<5120xi32, #tpu.memory_space<vmem>> -> memref<128xi32, #tpu.memory_space<vmem>>
    %dma_wait3A_33 = arith.constant 0 : i32
    %dma_wait3A_34 = arith.constant 0 : i32
    %dma_wait3A_35 = tpu.memref_slice %arg2[%dma_wait3A_33, %dma_wait3A_34] : memref<10000x128xf32, #tpu.memory_space<hbm>> -> memref<10000x128xf32, #tpu.memory_space<hbm>>
    tpu.wait_indirect_dma semaphore(%arg11 : memref<!tpu.dma_semaphore, #tpu.memory_space<semaphore_mem>>) src(%dma_wait3A_35 : memref<10000x128xf32, #tpu.memory_space<hbm>>) dst(%arg9 : memref<128x128xf32, #tpu.memory_space<vmem>>)
    %run_scoped3A = arith.constant 38 : i32
    "tpu.region"() ({
      %run_scoped3A_74 = tpu.sem_alloc : memref<!tpu.dma_semaphore, #tpu.memory_space<semaphore_mem>>
      %dma_start3A_75 = arith.constant 0 : i32
      %dma_start3A_76 = tpu.memref_slice %arg8[%run_scoped3A, %dma_start3A_75] : memref<40x128xi32, #tpu.memory_space<vmem>> -> memref<1x128xi32, #tpu.memory_space<vmem>>
      %dma_start3A_77 = tpu.memref_squeeze %dma_start3A_76 : memref<1x128xi32, #tpu.memory_space<vmem>> -> memref<128xi32, #tpu.memory_space<vmem>>
      %dma_start3A_78 = arith.constant 0 : i32
      %dma_start3A_79 = arith.constant 0 : i32
      %dma_start3A_80 = tpu.memref_slice %arg6[%dma_start3A_78, %dma_start3A_79] : memref<10240x128xf32, #tpu.memory_space<vmem_shared>> -> memref<10240x128xf32, #tpu.memory_space<vmem_shared>>
      tpu.enqueue_indirect_dma source(%arg9 : memref<128x128xf32, #tpu.memory_space<vmem>>) target(%dma_start3A_80 : memref<10240x128xf32, #tpu.memory_space<vmem_shared>>) offsets(%dma_start3A_77 : memref<128xi32, #tpu.memory_space<vmem>>) semaphore(%run_scoped3A_74 : memref<!tpu.dma_semaphore, #tpu.memory_space<semaphore_mem>>) {add = true}
      %dma_wait3A_81 = arith.constant 0 : i32
      %dma_wait3A_82 = tpu.memref_slice %arg8[%run_scoped3A, %dma_wait3A_81] : memref<40x128xi32, #tpu.memory_space<vmem>> -> memref<1x128xi32, #tpu.memory_space<vmem>>
      %dma_wait3A_83 = tpu.memref_squeeze %dma_wait3A_82 : memref<1x128xi32, #tpu.memory_space<vmem>> -> memref<128xi32, #tpu.memory_space<vmem>>
      %dma_wait3A_84 = arith.constant 0 : i32
      %dma_wait3A_85 = arith.constant 0 : i32
      %dma_wait3A_86 = tpu.memref_slice %arg6[%dma_wait3A_84, %dma_wait3A_85] : memref<10240x128xf32, #tpu.memory_space<vmem_shared>> -> memref<10240x128xf32, #tpu.memory_space<vmem_shared>>
      tpu.wait_indirect_dma semaphore(%run_scoped3A_74 : memref<!tpu.dma_semaphore, #tpu.memory_space<semaphore_mem>>) src(%arg9 : memref<128x128xf32, #tpu.memory_space<vmem>>) dst(%dma_wait3A_86 : memref<10240x128xf32, #tpu.memory_space<vmem_shared>>)
      tpu.yield
    }) : () -> ()
    %dma_wait3A_36 = arith.constant 4992 : i32
    %dma_wait3A_37 = tpu.memref_slice %arg7[%dma_wait3A_36] : memref<5120xi32, #tpu.memory_space<vmem>> -> memref<128xi32, #tpu.memory_space<vmem>>
    %dma_wait3A_38 = arith.constant 0 : i32
    %dma_wait3A_39 = arith.constant 0 : i32
    %dma_wait3A_40 = tpu.memref_slice %arg2[%dma_wait3A_38, %dma_wait3A_39] : memref<10000x128xf32, #tpu.memory_space<hbm>> -> memref<10000x128xf32, #tpu.memory_space<hbm>>
    tpu.wait_indirect_dma semaphore(%arg11 : memref<!tpu.dma_semaphore, #tpu.memory_space<semaphore_mem>>) src(%dma_wait3A_40 : memref<10000x128xf32, #tpu.memory_space<hbm>>) dst(%arg10 : memref<128x128xf32, #tpu.memory_space<vmem>>)
    %run_scoped3A_41 = arith.constant 39 : i32
    "tpu.region"() ({
      %run_scoped3A_74 = tpu.sem_alloc : memref<!tpu.dma_semaphore, #tpu.memory_space<semaphore_mem>>
      %dma_start3A_75 = arith.constant 0 : i32
      %dma_start3A_76 = tpu.memref_slice %arg8[%run_scoped3A_41, %dma_start3A_75] : memref<40x128xi32, #tpu.memory_space<vmem>> -> memref<1x128xi32, #tpu.memory_space<vmem>>
      %dma_start3A_77 = tpu.memref_squeeze %dma_start3A_76 : memref<1x128xi32, #tpu.memory_space<vmem>> -> memref<128xi32, #tpu.memory_space<vmem>>
      %dma_start3A_78 = arith.constant 0 : i32
      %dma_start3A_79 = arith.constant 0 : i32
      %dma_start3A_80 = tpu.memref_slice %arg6[%dma_start3A_78, %dma_start3A_79] : memref<10240x128xf32, #tpu.memory_space<vmem_shared>> -> memref<10240x128xf32, #tpu.memory_space<vmem_shared>>
      tpu.enqueue_indirect_dma source(%arg10 : memref<128x128xf32, #tpu.memory_space<vmem>>) target(%dma_start3A_80 : memref<10240x128xf32, #tpu.memory_space<vmem_shared>>) offsets(%dma_start3A_77 : memref<128xi32, #tpu.memory_space<vmem>>) semaphore(%run_scoped3A_74 : memref<!tpu.dma_semaphore, #tpu.memory_space<semaphore_mem>>) {add = true}
      %dma_wait3A_81 = arith.constant 0 : i32
      %dma_wait3A_82 = tpu.memref_slice %arg8[%run_scoped3A_41, %dma_wait3A_81] : memref<40x128xi32, #tpu.memory_space<vmem>> -> memref<1x128xi32, #tpu.memory_space<vmem>>
      %dma_wait3A_83 = tpu.memref_squeeze %dma_wait3A_82 : memref<1x128xi32, #tpu.memory_space<vmem>> -> memref<128xi32, #tpu.memory_space<vmem>>
      %dma_wait3A_84 = arith.constant 0 : i32
      %dma_wait3A_85 = arith.constant 0 : i32
      %dma_wait3A_86 = tpu.memref_slice %arg6[%dma_wait3A_84, %dma_wait3A_85] : memref<10240x128xf32, #tpu.memory_space<vmem_shared>> -> memref<10240x128xf32, #tpu.memory_space<vmem_shared>>
      tpu.wait_indirect_dma semaphore(%run_scoped3A_74 : memref<!tpu.dma_semaphore, #tpu.memory_space<semaphore_mem>>) src(%arg10 : memref<128x128xf32, #tpu.memory_space<vmem>>) dst(%dma_wait3A_86 : memref<10240x128xf32, #tpu.memory_space<vmem_shared>>)
      tpu.yield
    }) : () -> ()
    %add3A_42 = arith.constant 40 : i32
    %add3A_43 = arith.addi %mul3A_13, %add3A_42 : i32
    %mul3A_44 = arith.constant 128 : i32
    %mul3A_45 = arith.muli %add3A_43, %mul3A_44 : i32
    "tpu.region"() ({
      %run_scoped3A_74 = tpu.sem_alloc : memref<!tpu.dma_semaphore, #tpu.memory_space<semaphore_mem>>
      %dma_start3A_75 = tpu.memref_slice %arg3[%mul3A_45] : memref<327680xi32, #tpu.memory_space<hbm>> -> memref<5120xi32, #tpu.memory_space<hbm>>
      %dma_start3A_76 = tpu.memref_slice %arg3[%mul3A_45] : memref<327680xi32, #tpu.memory_space<hbm>> -> memref<5120xi32, #tpu.memory_space<hbm>>
      tpu.enqueue_dma source(%dma_start3A_76 : memref<5120xi32, #tpu.memory_space<hbm>>) target(%arg7 : memref<5120xi32, #tpu.memory_space<vmem>>) target_semaphore(%run_scoped3A_74 : memref<!tpu.dma_semaphore, #tpu.memory_space<semaphore_mem>>)
      %dma_wait3A_77 = tpu.memref_slice %arg3[%mul3A_45] : memref<327680xi32, #tpu.memory_space<hbm>> -> memref<5120xi32, #tpu.memory_space<hbm>>
      %dma_wait3A_78 = tpu.memref_slice %arg3[%mul3A_45] : memref<327680xi32, #tpu.memory_space<hbm>> -> memref<5120xi32, #tpu.memory_space<hbm>>
      tpu.wait_dma2 semaphore(%run_scoped3A_74 : memref<!tpu.dma_semaphore, #tpu.memory_space<semaphore_mem>>) src(%dma_wait3A_78 : memref<5120xi32, #tpu.memory_space<hbm>>) dst(%arg7 : memref<5120xi32, #tpu.memory_space<vmem>>)
      tpu.yield
    }) : () -> ()
    "tpu.region"() ({
      %run_scoped3A_74 = tpu.sem_alloc : memref<!tpu.dma_semaphore, #tpu.memory_space<semaphore_mem>>
      %dma_start3A_75 = arith.constant 0 : i32
      %dma_start3A_76 = tpu.memref_slice %arg4[%add3A_43, %dma_start3A_75] : memref<2560x128xi32, #tpu.memory_space<hbm>> -> memref<40x128xi32, #tpu.memory_space<hbm>>
      %dma_start3A_77 = arith.constant 0 : i32
      %dma_start3A_78 = tpu.memref_slice %arg4[%add3A_43, %dma_start3A_77] : memref<2560x128xi32, #tpu.memory_space<hbm>> -> memref<40x128xi32, #tpu.memory_space<hbm>>
      tpu.enqueue_dma source(%dma_start3A_78 : memref<40x128xi32, #tpu.memory_space<hbm>>) target(%arg8 : memref<40x128xi32, #tpu.memory_space<vmem>>) target_semaphore(%run_scoped3A_74 : memref<!tpu.dma_semaphore, #tpu.memory_space<semaphore_mem>>)
      %dma_wait3A_79 = arith.constant 0 : i32
      %dma_wait3A_80 = tpu.memref_slice %arg4[%add3A_43, %dma_wait3A_79] : memref<2560x128xi32, #tpu.memory_space<hbm>> -> memref<40x128xi32, #tpu.memory_space<hbm>>
      %dma_wait3A_81 = arith.constant 0 : i32
      %dma_wait3A_82 = tpu.memref_slice %arg4[%add3A_43, %dma_wait3A_81] : memref<2560x128xi32, #tpu.memory_space<hbm>> -> memref<40x128xi32, #tpu.memory_space<hbm>>
      tpu.wait_dma2 semaphore(%run_scoped3A_74 : memref<!tpu.dma_semaphore, #tpu.memory_space<semaphore_mem>>) src(%dma_wait3A_82 : memref<40x128xi32, #tpu.memory_space<hbm>>) dst(%arg8 : memref<40x128xi32, #tpu.memory_space<vmem>>)
      tpu.yield
    }) : () -> ()
    %dma_start3A_46 = arith.constant 0 : i32
    %dma_start3A_47 = tpu.memref_slice %arg7[%dma_start3A_46] : memref<5120xi32, #tpu.memory_space<vmem>> -> memref<128xi32, #tpu.memory_space<vmem>>
    %dma_start3A_48 = arith.constant 0 : i32
    %dma_start3A_49 = arith.constant 0 : i32
    %dma_start3A_50 = tpu.memref_slice %arg2[%dma_start3A_48, %dma_start3A_49] : memref<10000x128xf32, #tpu.memory_space<hbm>> -> memref<10000x128xf32, #tpu.memory_space<hbm>>
    tpu.enqueue_indirect_dma source(%dma_start3A_50 : memref<10000x128xf32, #tpu.memory_space<hbm>>) target(%arg9 : memref<128x128xf32, #tpu.memory_space<vmem>>) offsets(%dma_start3A_47 : memref<128xi32, #tpu.memory_space<vmem>>) semaphore(%arg11 : memref<!tpu.dma_semaphore, #tpu.memory_space<semaphore_mem>>)
    %dma_start3A_51 = arith.constant 128 : i32
    %dma_start3A_52 = tpu.memref_slice %arg7[%dma_start3A_51] : memref<5120xi32, #tpu.memory_space<vmem>> -> memref<128xi32, #tpu.memory_space<vmem>>
    %dma_start3A_53 = arith.constant 0 : i32
    %dma_start3A_54 = arith.constant 0 : i32
    %dma_start3A_55 = tpu.memref_slice %arg2[%dma_start3A_53, %dma_start3A_54] : memref<10000x128xf32, #tpu.memory_space<hbm>> -> memref<10000x128xf32, #tpu.memory_space<hbm>>
    tpu.enqueue_indirect_dma source(%dma_start3A_55 : memref<10000x128xf32, #tpu.memory_space<hbm>>) target(%arg10 : memref<128x128xf32, #tpu.memory_space<vmem>>) offsets(%dma_start3A_52 : memref<128xi32, #tpu.memory_space<vmem>>) semaphore(%arg11 : memref<!tpu.dma_semaphore, #tpu.memory_space<semaphore_mem>>)
    %scan3A_56 = arith.constant 0 : i32
    %scan3A_57 = arith.constant 19 : i32
    %scan3A_58 = arith.addi %scan3A_56, %scan3A_57 : i32
    %scan3A_59 = arith.constant 1 : i32
    scf.for %scan3A_74 = %scan3A_56 to %scan3A_58 step %scan3A_59  : i32 {
      %mul3A_75 = arith.constant 1 : i32
      %mul3A_76 = arith.muli %scan3A_74, %mul3A_75 : i32
      %add3A_77 = arith.constant 0 : i32
      %add3A_78 = arith.addi %add3A_77, %mul3A_76 : i32
      %mul3A_79 = arith.constant 2 : i32
      %mul3A_80 = arith.muli %add3A_78, %mul3A_79 : i32
      %add3A_81 = arith.constant 0 : i32
      %add3A_82 = arith.addi %mul3A_80, %add3A_81 : i32
      %mul3A_83 = arith.constant 128 : i32
      %mul3A_84 = arith.muli %add3A_82, %mul3A_83 : i32
      %dma_wait3A_85 = tpu.memref_slice %arg7[%mul3A_84] : memref<5120xi32, #tpu.memory_space<vmem>> -> memref<128xi32, #tpu.memory_space<vmem>>
      %dma_wait3A_86 = arith.constant 0 : i32
      %dma_wait3A_87 = arith.constant 0 : i32
      %dma_wait3A_88 = tpu.memref_slice %arg2[%dma_wait3A_86, %dma_wait3A_87] : memref<10000x128xf32, #tpu.memory_space<hbm>> -> memref<10000x128xf32, #tpu.memory_space<hbm>>
      tpu.wait_indirect_dma semaphore(%arg11 : memref<!tpu.dma_semaphore, #tpu.memory_space<semaphore_mem>>) src(%dma_wait3A_88 : memref<10000x128xf32, #tpu.memory_space<hbm>>) dst(%arg9 : memref<128x128xf32, #tpu.memory_space<vmem>>)
      "tpu.region"() ({
        %run_scoped3A_115 = tpu.sem_alloc : memref<!tpu.dma_semaphore, #tpu.memory_space<semaphore_mem>>
        %dma_start3A_116 = arith.constant 0 : i32
        %dma_start3A_117 = tpu.memref_slice %arg8[%add3A_82, %dma_start3A_116] : memref<40x128xi32, #tpu.memory_space<vmem>> -> memref<1x128xi32, #tpu.memory_space<vmem>>
        %dma_start3A_118 = tpu.memref_squeeze %dma_start3A_117 : memref<1x128xi32, #tpu.memory_space<vmem>> -> memref<128xi32, #tpu.memory_space<vmem>>
        %dma_start3A_119 = arith.constant 0 : i32
        %dma_start3A_120 = arith.constant 0 : i32
        %dma_start3A_121 = tpu.memref_slice %arg6[%dma_start3A_119, %dma_start3A_120] : memref<10240x128xf32, #tpu.memory_space<vmem_shared>> -> memref<10240x128xf32, #tpu.memory_space<vmem_shared>>
        tpu.enqueue_indirect_dma source(%arg9 : memref<128x128xf32, #tpu.memory_space<vmem>>) target(%dma_start3A_121 : memref<10240x128xf32, #tpu.memory_space<vmem_shared>>) offsets(%dma_start3A_118 : memref<128xi32, #tpu.memory_space<vmem>>) semaphore(%run_scoped3A_115 : memref<!tpu.dma_semaphore, #tpu.memory_space<semaphore_mem>>) {add = true}
        %dma_wait3A_122 = arith.constant 0 : i32
        %dma_wait3A_123 = tpu.memref_slice %arg8[%add3A_82, %dma_wait3A_122] : memref<40x128xi32, #tpu.memory_space<vmem>> -> memref<1x128xi32, #tpu.memory_space<vmem>>
        %dma_wait3A_124 = tpu.memref_squeeze %dma_wait3A_123 : memref<1x128xi32, #tpu.memory_space<vmem>> -> memref<128xi32, #tpu.memory_space<vmem>>
        %dma_wait3A_125 = arith.constant 0 : i32
        %dma_wait3A_126 = arith.constant 0 : i32
        %dma_wait3A_127 = tpu.memref_slice %arg6[%dma_wait3A_125, %dma_wait3A_126] : memref<10240x128xf32, #tpu.memory_space<vmem_shared>> -> memref<10240x128xf32, #tpu.memory_space<vmem_shared>>
        tpu.wait_indirect_dma semaphore(%run_scoped3A_115 : memref<!tpu.dma_semaphore, #tpu.memory_space<semaphore_mem>>) src(%arg9 : memref<128x128xf32, #tpu.memory_space<vmem>>) dst(%dma_wait3A_127 : memref<10240x128xf32, #tpu.memory_space<vmem_shared>>)
        tpu.yield
      }) : () -> ()
      %add3A_89 = arith.constant 2 : i32
      %add3A_90 = arith.addi %add3A_82, %add3A_89 : i32
      %mul3A_91 = arith.constant 128 : i32
      %mul3A_92 = arith.muli %add3A_90, %mul3A_91 : i32
      %dma_start3A_93 = tpu.memref_slice %arg7[%mul3A_92] : memref<5120xi32, #tpu.memory_space<vmem>> -> memref<128xi32, #tpu.memory_space<vmem>>
      %dma_start3A_94 = arith.constant 0 : i32
      %dma_start3A_95 = arith.constant 0 : i32
      %dma_start3A_96 = tpu.memref_slice %arg2[%dma_start3A_94, %dma_start3A_95] : memref<10000x128xf32, #tpu.memory_space<hbm>> -> memref<10000x128xf32, #tpu.memory_space<hbm>>
      tpu.enqueue_indirect_dma source(%dma_start3A_96 : memref<10000x128xf32, #tpu.memory_space<hbm>>) target(%arg9 : memref<128x128xf32, #tpu.memory_space<vmem>>) offsets(%dma_start3A_93 : memref<128xi32, #tpu.memory_space<vmem>>) semaphore(%arg11 : memref<!tpu.dma_semaphore, #tpu.memory_space<semaphore_mem>>)
      %mul3A_97 = arith.constant 2 : i32
      %mul3A_98 = arith.muli %add3A_78, %mul3A_97 : i32
      %add3A_99 = arith.constant 1 : i32
      %add3A_100 = arith.addi %mul3A_98, %add3A_99 : i32
      %mul3A_101 = arith.constant 128 : i32
      %mul3A_102 = arith.muli %add3A_100, %mul3A_101 : i32
      %dma_wait3A_103 = tpu.memref_slice %arg7[%mul3A_102] : memref<5120xi32, #tpu.memory_space<vmem>> -> memref<128xi32, #tpu.memory_space<vmem>>
      %dma_wait3A_104 = arith.constant 0 : i32
      %dma_wait3A_105 = arith.constant 0 : i32
      %dma_wait3A_106 = tpu.memref_slice %arg2[%dma_wait3A_104, %dma_wait3A_105] : memref<10000x128xf32, #tpu.memory_space<hbm>> -> memref<10000x128xf32, #tpu.memory_space<hbm>>
      tpu.wait_indirect_dma semaphore(%arg11 : memref<!tpu.dma_semaphore, #tpu.memory_space<semaphore_mem>>) src(%dma_wait3A_106 : memref<10000x128xf32, #tpu.memory_space<hbm>>) dst(%arg10 : memref<128x128xf32, #tpu.memory_space<vmem>>)
      "tpu.region"() ({
        %run_scoped3A_115 = tpu.sem_alloc : memref<!tpu.dma_semaphore, #tpu.memory_space<semaphore_mem>>
        %dma_start3A_116 = arith.constant 0 : i32
        %dma_start3A_117 = tpu.memref_slice %arg8[%add3A_100, %dma_start3A_116] : memref<40x128xi32, #tpu.memory_space<vmem>> -> memref<1x128xi32, #tpu.memory_space<vmem>>
        %dma_start3A_118 = tpu.memref_squeeze %dma_start3A_117 : memref<1x128xi32, #tpu.memory_space<vmem>> -> memref<128xi32, #tpu.memory_space<vmem>>
        %dma_start3A_119 = arith.constant 0 : i32
        %dma_start3A_120 = arith.constant 0 : i32
        %dma_start3A_121 = tpu.memref_slice %arg6[%dma_start3A_119, %dma_start3A_120] : memref<10240x128xf32, #tpu.memory_space<vmem_shared>> -> memref<10240x128xf32, #tpu.memory_space<vmem_shared>>
        tpu.enqueue_indirect_dma source(%arg10 : memref<128x128xf32, #tpu.memory_space<vmem>>) target(%dma_start3A_121 : memref<10240x128xf32, #tpu.memory_space<vmem_shared>>) offsets(%dma_start3A_118 : memref<128xi32, #tpu.memory_space<vmem>>) semaphore(%run_scoped3A_115 : memref<!tpu.dma_semaphore, #tpu.memory_space<semaphore_mem>>) {add = true}
        %dma_wait3A_122 = arith.constant 0 : i32
        %dma_wait3A_123 = tpu.memref_slice %arg8[%add3A_100, %dma_wait3A_122] : memref<40x128xi32, #tpu.memory_space<vmem>> -> memref<1x128xi32, #tpu.memory_space<vmem>>
        %dma_wait3A_124 = tpu.memref_squeeze %dma_wait3A_123 : memref<1x128xi32, #tpu.memory_space<vmem>> -> memref<128xi32, #tpu.memory_space<vmem>>
        %dma_wait3A_125 = arith.constant 0 : i32
        %dma_wait3A_126 = arith.constant 0 : i32
        %dma_wait3A_127 = tpu.memref_slice %arg6[%dma_wait3A_125, %dma_wait3A_126] : memref<10240x128xf32, #tpu.memory_space<vmem_shared>> -> memref<10240x128xf32, #tpu.memory_space<vmem_shared>>
        tpu.wait_indirect_dma semaphore(%run_scoped3A_115 : memref<!tpu.dma_semaphore, #tpu.memory_space<semaphore_mem>>) src(%arg10 : memref<128x128xf32, #tpu.memory_space<vmem>>) dst(%dma_wait3A_127 : memref<10240x128xf32, #tpu.memory_space<vmem_shared>>)
        tpu.yield
      }) : () -> ()
      %add3A_107 = arith.constant 2 : i32
      %add3A_108 = arith.addi %add3A_100, %add3A_107 : i32
      %mul3A_109 = arith.constant 128 : i32
      %mul3A_110 = arith.muli %add3A_108, %mul3A_109 : i32
      %dma_start3A_111 = tpu.memref_slice %arg7[%mul3A_110] : memref<5120xi32, #tpu.memory_space<vmem>> -> memref<128xi32, #tpu.memory_space<vmem>>
      %dma_start3A_112 = arith.constant 0 : i32
      %dma_start3A_113 = arith.constant 0 : i32
      %dma_start3A_114 = tpu.memref_slice %arg2[%dma_start3A_112, %dma_start3A_113] : memref<10000x128xf32, #tpu.memory_space<hbm>> -> memref<10000x128xf32, #tpu.memory_space<hbm>>
      tpu.enqueue_indirect_dma source(%dma_start3A_114 : memref<10000x128xf32, #tpu.memory_space<hbm>>) target(%arg10 : memref<128x128xf32, #tpu.memory_space<vmem>>) offsets(%dma_start3A_111 : memref<128xi32, #tpu.memory_space<vmem>>) semaphore(%arg11 : memref<!tpu.dma_semaphore, #tpu.memory_space<semaphore_mem>>)
    }
    %scan3A_60 = arith.constant 19 : i32
    %dma_wait3A_61 = arith.constant 4864 : i32
    %dma_wait3A_62 = tpu.memref_slice %arg7[%dma_wait3A_61] : memref<5120xi32, #tpu.memory_space<vmem>> -> memref<128xi32, #tpu.memory_space<vmem>>
    %dma_wait3A_63 = arith.constant 0 : i32
    %dma_wait3A_64 = arith.constant 0 : i32
    %dma_wait3A_65 = tpu.memref_slice %arg2[%dma_wait3A_63, %dma_wait3A_64] : memref<10000x128xf32, #tpu.memory_space<hbm>> -> memref<10000x128xf32, #tpu.memory_space<hbm>>
    tpu.wait_indirect_dma semaphore(%arg11 : memref<!tpu.dma_semaphore, #tpu.memory_space<semaphore_mem>>) src(%dma_wait3A_65 : memref<10000x128xf32, #tpu.memory_space<hbm>>) dst(%arg9 : memref<128x128xf32, #tpu.memory_space<vmem>>)
    %run_scoped3A_66 = arith.constant 38 : i32
    "tpu.region"() ({
      %run_scoped3A_74 = tpu.sem_alloc : memref<!tpu.dma_semaphore, #tpu.memory_space<semaphore_mem>>
      %dma_start3A_75 = arith.constant 0 : i32
      %dma_start3A_76 = tpu.memref_slice %arg8[%run_scoped3A_66, %dma_start3A_75] : memref<40x128xi32, #tpu.memory_space<vmem>> -> memref<1x128xi32, #tpu.memory_space<vmem>>
      %dma_start3A_77 = tpu.memref_squeeze %dma_start3A_76 : memref<1x128xi32, #tpu.memory_space<vmem>> -> memref<128xi32, #tpu.memory_space<vmem>>
      %dma_start3A_78 = arith.constant 0 : i32
      %dma_start3A_79 = arith.constant 0 : i32
      %dma_start3A_80 = tpu.memref_slice %arg6[%dma_start3A_78, %dma_start3A_79] : memref<10240x128xf32, #tpu.memory_space<vmem_shared>> -> memref<10240x128xf32, #tpu.memory_space<vmem_shared>>
      tpu.enqueue_indirect_dma source(%arg9 : memref<128x128xf32, #tpu.memory_space<vmem>>) target(%dma_start3A_80 : memref<10240x128xf32, #tpu.memory_space<vmem_shared>>) offsets(%dma_start3A_77 : memref<128xi32, #tpu.memory_space<vmem>>) semaphore(%run_scoped3A_74 : memref<!tpu.dma_semaphore, #tpu.memory_space<semaphore_mem>>) {add = true}
      %dma_wait3A_81 = arith.constant 0 : i32
      %dma_wait3A_82 = tpu.memref_slice %arg8[%run_scoped3A_66, %dma_wait3A_81] : memref<40x128xi32, #tpu.memory_space<vmem>> -> memref<1x128xi32, #tpu.memory_space<vmem>>
      %dma_wait3A_83 = tpu.memref_squeeze %dma_wait3A_82 : memref<1x128xi32, #tpu.memory_space<vmem>> -> memref<128xi32, #tpu.memory_space<vmem>>
      %dma_wait3A_84 = arith.constant 0 : i32
      %dma_wait3A_85 = arith.constant 0 : i32
      %dma_wait3A_86 = tpu.memref_slice %arg6[%dma_wait3A_84, %dma_wait3A_85] : memref<10240x128xf32, #tpu.memory_space<vmem_shared>> -> memref<10240x128xf32, #tpu.memory_space<vmem_shared>>
      tpu.wait_indirect_dma semaphore(%run_scoped3A_74 : memref<!tpu.dma_semaphore, #tpu.memory_space<semaphore_mem>>) src(%arg9 : memref<128x128xf32, #tpu.memory_space<vmem>>) dst(%dma_wait3A_86 : memref<10240x128xf32, #tpu.memory_space<vmem_shared>>)
      tpu.yield
    }) : () -> ()
    %dma_wait3A_67 = arith.constant 4992 : i32
    %dma_wait3A_68 = tpu.memref_slice %arg7[%dma_wait3A_67] : memref<5120xi32, #tpu.memory_space<vmem>> -> memref<128xi32, #tpu.memory_space<vmem>>
    %dma_wait3A_69 = arith.constant 0 : i32
    %dma_wait3A_70 = arith.constant 0 : i32
    %dma_wait3A_71 = tpu.memref_slice %arg2[%dma_wait3A_69, %dma_wait3A_70] : memref<10000x128xf32, #tpu.memory_space<hbm>> -> memref<10000x128xf32, #tpu.memory_space<hbm>>
    tpu.wait_indirect_dma semaphore(%arg11 : memref<!tpu.dma_semaphore, #tpu.memory_space<semaphore_mem>>) src(%dma_wait3A_71 : memref<10000x128xf32, #tpu.memory_space<hbm>>) dst(%arg10 : memref<128x128xf32, #tpu.memory_space<vmem>>)
    %run_scoped3A_72 = arith.constant 39 : i32
    "tpu.region"() ({
      %run_scoped3A_74 = tpu.sem_alloc : memref<!tpu.dma_semaphore, #tpu.memory_space<semaphore_mem>>
      %dma_start3A_75 = arith.constant 0 : i32
      %dma_start3A_76 = tpu.memref_slice %arg8[%run_scoped3A_72, %dma_start3A_75] : memref<40x128xi32, #tpu.memory_space<vmem>> -> memref<1x128xi32, #tpu.memory_space<vmem>>
      %dma_start3A_77 = tpu.memref_squeeze %dma_start3A_76 : memref<1x128xi32, #tpu.memory_space<vmem>> -> memref<128xi32, #tpu.memory_space<vmem>>
      %dma_start3A_78 = arith.constant 0 : i32
      %dma_start3A_79 = arith.constant 0 : i32
      %dma_start3A_80 = tpu.memref_slice %arg6[%dma_start3A_78, %dma_start3A_79] : memref<10240x128xf32, #tpu.memory_space<vmem_shared>> -> memref<10240x128xf32, #tpu.memory_space<vmem_shared>>
      tpu.enqueue_indirect_dma source(%arg10 : memref<128x128xf32, #tpu.memory_space<vmem>>) target(%dma_start3A_80 : memref<10240x128xf32, #tpu.memory_space<vmem_shared>>) offsets(%dma_start3A_77 : memref<128xi32, #tpu.memory_space<vmem>>) semaphore(%run_scoped3A_74 : memref<!tpu.dma_semaphore, #tpu.memory_space<semaphore_mem>>) {add = true}
      %dma_wait3A_81 = arith.constant 0 : i32
      %dma_wait3A_82 = tpu.memref_slice %arg8[%run_scoped3A_72, %dma_wait3A_81] : memref<40x128xi32, #tpu.memory_space<vmem>> -> memref<1x128xi32, #tpu.memory_space<vmem>>
      %dma_wait3A_83 = tpu.memref_squeeze %dma_wait3A_82 : memref<1x128xi32, #tpu.memory_space<vmem>> -> memref<128xi32, #tpu.memory_space<vmem>>
      %dma_wait3A_84 = arith.constant 0 : i32
      %dma_wait3A_85 = arith.constant 0 : i32
      %dma_wait3A_86 = tpu.memref_slice %arg6[%dma_wait3A_84, %dma_wait3A_85] : memref<10240x128xf32, #tpu.memory_space<vmem_shared>> -> memref<10240x128xf32, #tpu.memory_space<vmem_shared>>
      tpu.wait_indirect_dma semaphore(%run_scoped3A_74 : memref<!tpu.dma_semaphore, #tpu.memory_space<semaphore_mem>>) src(%arg10 : memref<128x128xf32, #tpu.memory_space<vmem>>) dst(%dma_wait3A_86 : memref<10240x128xf32, #tpu.memory_space<vmem_shared>>)
      tpu.yield
    }) : () -> ()
    %barrier3A_73 = arith.constant 0 : index
    tpu.barrier barrier_id(%barrier3A_73)
    "tpu.region"() ({
      %run_scoped3A_74 = tpu.sem_alloc : memref<!tpu.dma_semaphore, #tpu.memory_space<semaphore_mem>>
      %dma_start3A_75 = arith.constant 0 : i32
      %dma_start3A_76 = tpu.memref_slice %arg5[%arg0, %mul3A_4, %dma_start3A_75] : memref<2x10240x128xf32, #tpu.memory_space<hbm>> -> memref<1x640x128xf32, #tpu.memory_space<hbm>>
      %dma_start3A_77 = tpu.memref_squeeze %dma_start3A_76 : memref<1x640x128xf32, #tpu.memory_space<hbm>> -> memref<640x128xf32, #tpu.memory_space<hbm>>
      %dma_start3A_78 = arith.constant 0 : i32
      %dma_start3A_79 = tpu.memref_slice %arg6[%mul3A_4, %dma_start3A_78] : memref<10240x128xf32, #tpu.memory_space<vmem_shared>> -> memref<640x128xf32, #tpu.memory_space<vmem_shared>>
      tpu.enqueue_dma source(%dma_start3A_79 : memref<640x128xf32, #tpu.memory_space<vmem_shared>>) target(%dma_start3A_77 : memref<640x128xf32, #tpu.memory_space<hbm>>) target_semaphore(%run_scoped3A_74 : memref<!tpu.dma_semaphore, #tpu.memory_space<semaphore_mem>>)
      %dma_wait3A_80 = arith.constant 0 : i32
      %dma_wait3A_81 = tpu.memref_slice %arg5[%arg0, %mul3A_4, %dma_wait3A_80] : memref<2x10240x128xf32, #tpu.memory_space<hbm>> -> memref<1x640x128xf32, #tpu.memory_space<hbm>>
      %dma_wait3A_82 = tpu.memref_squeeze %dma_wait3A_81 : memref<1x640x128xf32, #tpu.memory_space<hbm>> -> memref<640x128xf32, #tpu.memory_space<hbm>>
      %dma_wait3A_83 = arith.constant 0 : i32
      %dma_wait3A_84 = tpu.memref_slice %arg6[%mul3A_4, %dma_wait3A_83] : memref<10240x128xf32, #tpu.memory_space<vmem_shared>> -> memref<640x128xf32, #tpu.memory_space<vmem_shared>>
      tpu.wait_dma2 semaphore(%run_scoped3A_74 : memref<!tpu.dma_semaphore, #tpu.memory_space<semaphore_mem>>) src(%dma_wait3A_84 : memref<640x128xf32, #tpu.memory_space<vmem_shared>>) dst(%dma_wait3A_82 : memref<640x128xf32, #tpu.memory_space<hbm>>)
      tpu.yield
    }) : () -> ()
    return
  }
}

module attributes {stable_mosaic.version = 14 : i64} {
  func.func @_mm_body(%arg0: i32, %arg1: memref<2x2000x128xf32, #tpu.memory_space<vmem>>, %arg2: memref<128x128xf32, #tpu.memory_space<vmem>>, %arg3: memref<2000x128xf32, #tpu.memory_space<vmem>>) attributes {dimension_semantics = [#tpu.dimension_semantics<arbitrary>], iteration_bounds = array<i64: 5>, scalar_prefetch = 0 : i64, scratch_operands = 0 : i64, tpu.core_type = #tpu.core_type<tc>, window_params = [{transform_indices = @transform_0, window_bounds = array<i64: 2, 2000, 128>}, {pipeline_mode = #tpu.pipeline_mode<synchronous>, transform_indices = @transform_1, window_bounds = array<i64: 128, 128>}, {transform_indices = @transform_2, window_bounds = array<i64: 2000, 128>}]} {
    %get3A = arith.constant 0 : index
    %get3A_0 = arith.constant 0 : index
    %get3A_1 = arith.constant 0 : index
    %get3A_2 = vector.load %arg1[%get3A, %get3A_0, %get3A_1] : memref<2x2000x128xf32, #tpu.memory_space<vmem>>, vector<1x2000x128xf32>
    %get3A_3 = vector.shape_cast %get3A_2 : vector<1x2000x128xf32> to vector<2000x128xf32>
    %get3A_4 = arith.constant 1 : index
    %get3A_5 = arith.constant 0 : index
    %get3A_6 = arith.constant 0 : index
    %get3A_7 = vector.load %arg1[%get3A_4, %get3A_5, %get3A_6] : memref<2x2000x128xf32, #tpu.memory_space<vmem>>, vector<1x2000x128xf32>
    %get3A_8 = vector.shape_cast %get3A_7 : vector<1x2000x128xf32> to vector<2000x128xf32>
    %add3A = arith.addf %get3A_3, %get3A_8 : vector<2000x128xf32>
    %get3A_9 = arith.constant 0 : index
    %get3A_10 = arith.constant 0 : index
    %get3A_11 = vector.load %arg2[%get3A_9, %get3A_10] : memref<128x128xf32, #tpu.memory_space<vmem>>, vector<128x128xf32>
    %dot_general3A = arith.constant dense<0.000000e+00> : vector<2000x128xf32>
    %dot_general3A_12 = tpu.matmul %add3A, %get3A_11, %dot_general3A {dimension_numbers = #tpu.dot_dimension_numbers<[1], [0], [0], [1], [0, 0, 1, 1], [], []>, precision = #tpu.contract_precision<fp32>, transpose_lhs_hint = false} : vector<2000x128xf32>, vector<128x128xf32>, vector<2000x128xf32> -> vector<2000x128xf32>
    %swap3A = arith.constant 0 : index
    %swap3A_13 = arith.constant 0 : index
    %swap3A_14 = vector.load %arg3[%swap3A, %swap3A_13] : memref<2000x128xf32, #tpu.memory_space<vmem>>, vector<2000x128xf32>
    tpu.vector_store %arg3[%swap3A, %swap3A_13], %dot_general3A_12 {strides = array<i32>} : memref<2000x128xf32, #tpu.memory_space<vmem>>, vector<2000x128xf32>,
    return
  }
  func.func @transform_0(%arg0: i32) -> (i32, i32, i32) {
    %c0_i32 = arith.constant 0 : i32
    %c0_i32_0 = arith.constant 0 : i32
    %c0_i32_1 = arith.constant 0 : i32
    return %c0_i32, %arg0, %c0_i32_0 : i32, i32, i32
  }
  func.func @transform_1(%arg0: i32) -> (i32, i32) {
    %c0_i32 = arith.constant 0 : i32
    %c0_i32_0 = arith.constant 0 : i32
    %c0_i32_1 = arith.constant 0 : i32
    return %c0_i32, %c0_i32_0 : i32, i32
  }
  func.func @transform_2(%arg0: i32) -> (i32, i32) {
    %c0_i32 = arith.constant 0 : i32
    %c0_i32_0 = arith.constant 0 : i32
    return %arg0, %c0_i32 : i32, i32
  }
}

</mosaic_0001>

<sc_bundles>
// kernel: kernel.4.cloned.1.call-start
scs
__scs_entry_jumppad:
0x0: {  	(pc) =	sbr.rel $0x88, $3  }
0x1: {  	(tag) =	ssettag $0x0;
	lr =	simm.s32 $0x1  }
0x2: {  	[smem:$0x3F9E] =	sst lr;
	_ =	strace $0xD0000000  }
0x3: {  	_ = 	snop  }
0x4: {  	_ = 	snop  }
0x5: {  	_ = 	snop  }
0x6: {  	_ = 	snop  }
0x7: {  	_ = 	snop  }
__scs_overlays_trampoline_lowered:
0x8: {  	[smem:$0x3FAD] =	sst s0  }
0x9: {  	[smem:$0x3FAE] =	sst s1  }
0xa: {  	[smem:$0x3FAF] =	sst s2  }
0xb: {  	[smem:$0x3FB0] =	sst s3  }
0xc: {  	[smem:$0x3FB1] =	sst s4  }
0xd: {  	[smem:$0x3FB2] =	sst s5  }
0xe: {  	[smem:$0x3FB3] =	sst s6  }
0xf: {  	[smem:$0x3FB4] =	sst s7  }
0x10: {  	[smem:$0x3FB5] =	sst s8  }
0x11: {  	[smem:$0x3FB6] =	sst s9;
	s0 =	simm.s32 @!p0 $0x0  }
0x12: {  	s1 =	sld [smem:$0x3F9C];
	s0 =	simm.s32 @p0 $0x1  }
0x13: {  	[smem:$0x3FB7] =	sst s0;
	s0 =	simm.s32 @!p1 $0x0  }
0x14: {  	s2 =	sld [smem:$0x3F9B];
	s0 =	simm.s32 @p1 $0x1  }
0x15: {  	[smem:$0x3FB8] =	sst s0;
	s0 =	simm.s32 @!p2 $0x0  }
0x16: {  	s3 =	sld [smem:$0x3FDB];
	s0 =	simm.s32 @p2 $0x1  }
0x17: {  	s4 =	simm.s32 $0x1BF5;
	[smem:$0x3FBA] =	sst s0  }
0x18: {  	s0 =	sld [smem:$0x3F9D];
	_ =	swait.ge [sflag:s4], $0x0  }
0x19: {  	s7 =	sld [smem:$0x3F9E]  }
0x1a: {  	s8 =	sadd.s32 $0xFFFFE003, lr  }
0x1b: {  	s9 =	sadd.s32 $0xFFFFFEF7, lr;
	s5 =	simm.s32 $0xFFFFFFFF;
	p2 =	slt.u32 s8, $0xFFFFF086  }
0x1c: {  	p1 =	slt.u32 s9, $0xF7A;
	s5 =	simm.s32 @!p2 $0x0  }
0x1d: {  	s5 =	simm.s32 @p1 $0x1;
	p0 =	seq.s32 s7, s2  }
0x1e: {  	s7 =	smul.u32 @!p0 $0xF7A, s2;
	p2 =	seq.s32 @!p0 s5, $0x0  }
0x1f: {  	s9 =	smul.u32 $0xF7A, s1;
	s8 =	simm.s32 @!p0 $0x1BF5;
	p2 =	por !p2, p0  }
0x20: {  	[sflag:s8] =	ssyncset.s32 @!p0 $0xFFFFF086;
	s6 =	sadd.s32 @!p0 s3, s7;
	s7 =	simm.s32 @!p0 $0x108  }
0x21: {  	s3 =	sadd.s32 s3, s9;
	s6 =	sadd.s32 @!p0 $0x88, s6;
	s7 =	simm.s32 @p2 $0x1082  }
0x22: {  	[simem:s7], [sflag:s8] =	dma.local @!p0 [hbm:s6], $0xF7A  }
0x23: {  	s9 =	sor.u32 $0xD0000000, s2;
	s6 =	simm.s32 $0x108;
	_ =	swait.ge @!p0 [sflag:s8], $0x0  }
0x24: {  	s3 =	sadd.s32 $0x88, s3;
	s6 =	simm.s32 @!p1 $0x1082;
	[sflag:s4] =	ssyncset.s32 $0xFFFFF086  }
0x25: {  	[simem:s6], [sflag:s4] =	dma.local [hbm:s3], $0xF7A  }
0x26: {  	[smem:$0x3F9E] =	sst s1;
	(tag) =	ssettag s2;
	_ =	strace s9  }
0x27: {  	s1 =	sld [smem:$0x3FAE]  }
0x28: {  	s2 =	sld [smem:$0x3FAF]  }
0x29: {  	s4 =	sld [smem:$0x3FB1]  }
0x2a: {  	p0 =	seq.s32 s5, $0x0;
	s5 =	sld [smem:$0x3FB2]  }
0x2b: {  	s6 =	sld [smem:$0x3FB3]  }
0x2c: {  	s7 =	sld [smem:$0x3FB4]  }
0x2d: {  	s3 =	simm.s32 $0x108;
	s8 =	sld [smem:$0x3FB5]  }
0x2e: {  	s3 =	simm.s32 @!p0 $0x1082;
	s9 =	sld [smem:$0x3FB6]  }
0x2f: {  	lr =	sadd.s32 s0, s3;
	s0 =	sld [smem:$0x3FAD]  }
0x30: {  	s3 =	sld [smem:$0x3FB0]  }
0x31: {  	[smem:$0x3FB9] =	sst s10  }
0x32: {  	s10 =	sld [smem:$0x3FB7];
	_ =	sdelay $0x3  }
0x33: {  	p0 =	seq.s32 s10, $0x1;
	s10 =	sld [smem:$0x3FB9];
	_ =	sdelay $0x3  }
0x34: {  	[smem:$0x3FB9] =	sst s10  }
0x35: {  	s10 =	sld [smem:$0x3FB8];
	_ =	sdelay $0x3  }
0x36: {  	p1 =	seq.s32 s10, $0x1;
	s10 =	sld [smem:$0x3FB9];
	_ =	sdelay $0x3  }
0x37: {  	[smem:$0x3FB9] =	sst s10  }
0x38: {  	s10 =	sld [smem:$0x3FBA]  }
0x39: {  	_ = 	snop;
	(pc) =	sbr.ind lr, $3  }
0x3a: {  	_ = 	snop  }
0x3b: {  	_ = 	snop  }
0x3c: {  	p2 =	seq.s32 s10, $0x1;
	s10 =	sld [smem:$0x3FB9]  }
0x3d: {  	_ =	shalt  }
0x3e: {  	_ =	shalt  }
0x3f: {  	_ =	shalt  }
0x40: {  	_ =	shalt  }
0x41: {  	_ =	shalt  }
0x42: {  	_ =	shalt  }
0x43: {  	_ =	shalt  }
0x44: {  	_ =	shalt  }
0x45: {  	_ =	shalt  }
0x46: {  	_ =	shalt  }
0x47: {  	_ =	shalt  }
0x48: {  	_ =	shalt  }
0x49: {  	_ =	shalt  }
0x4a: {  	_ =	shalt  }
0x4b: {  	_ =	shalt  }
0x4c: {  	_ =	shalt  }
0x4d: {  	_ =	shalt  }
0x4e: {  	_ =	shalt  }
0x4f: {  	_ =	shalt  }
0x50: {  	_ =	shalt  }
0x51: {  	_ =	shalt  }
0x52: {  	_ =	shalt  }
0x53: {  	_ =	shalt  }
0x54: {  	_ =	shalt  }
0x55: {  	_ =	shalt  }
0x56: {  	_ =	shalt  }
0x57: {  	_ =	shalt  }
0x58: {  	_ =	shalt  }
0x59: {  	_ =	shalt  }
0x5a: {  	_ =	shalt  }
0x5b: {  	_ =	shalt  }
0x5c: {  	_ =	shalt  }
0x5d: {  	_ =	shalt  }
0x5e: {  	_ =	shalt  }
0x5f: {  	_ =	shalt  }
0x60: {  	_ =	shalt  }
0x61: {  	_ =	shalt  }
0x62: {  	_ =	shalt  }
0x63: {  	_ =	shalt  }
0x64: {  	_ =	shalt  }
0x65: {  	_ =	shalt  }
0x66: {  	_ =	shalt  }
0x67: {  	_ =	shalt  }
0x68: {  	_ =	shalt  }
0x69: {  	_ =	shalt  }
0x6a: {  	_ =	shalt  }
0x6b: {  	_ =	shalt  }
0x6c: {  	_ =	shalt  }
0x6d: {  	_ =	shalt  }
0x6e: {  	_ =	shalt  }
0x6f: {  	_ =	shalt  }
0x70: {  	_ =	shalt  }
0x71: {  	_ =	shalt  }
0x72: {  	_ =	shalt  }
0x73: {  	_ =	shalt  }
0x74: {  	_ =	shalt  }
0x75: {  	_ =	shalt  }
0x76: {  	_ =	shalt  }
0x77: {  	_ =	shalt  }
0x78: {  	_ =	shalt  }
0x79: {  	_ =	shalt  }
0x7a: {  	_ =	shalt  }
0x7b: {  	_ =	shalt  }
0x7c: {  	_ =	shalt  }
0x7d: {  	_ =	shalt  }
0x7e: {  	_ =	shalt  }
0x7f: {  	_ =	shalt  }
0x80: {  	_ =	shalt  }
0x81: {  	_ =	shalt  }
0x82: {  	_ =	shalt  }
0x83: {  	_ =	shalt  }
0x84: {  	_ =	shalt  }
0x85: {  	_ =	shalt  }
0x86: {  	_ =	shalt  }
0x87: {  	_ =	shalt  }
.Lfunc_end0:
.L_simem_size_0:
called_computation_lowered:
.L_overlay_start_0:
0x88: {  	s2 =	sld [smem:$0x3FD9]  }
0x89: {  	s3 =	sld [smem:$0x3FFE];
	_ =	sdelay $0x1  }
0x8a: {  	s1 =	srdreg.scid  }
0x8b: {  	s0 =	sand.u32 $0x1, s1  }
0x8c: {  	s17 =	sshll.u32 s0, $0xA;
	s2 =	sadd.s32 s3, s2  }
0x8d: {  	s2 =	sadd.s32 s2, s17  }
0x8e: {  	[smem:$0x3FC5] =	sst s2  }
0x8f: {  	_ = 	snop  }
0x90: {  	s2 =	sld [smem:$0x3FC9]  }
0x91: {  	s18 =	sld [smem:$0x3FD0];
	(tm) =	ssettm $0x1  }
0x92: {  	s4 =	sld [smem:$0x3FFB];
	_ =	sdelay $0x3  }
0x93: {  	_ =	strace s4  }
0x94: {  	s4 =	sld [smem:$0x3FFC];
	_ =	sdelay $0x3  }
0x95: {  	_ =	strace s4  }
0x96: {  	s4 =	sld [smem:$0x3FFD];
	_ =	sdelay $0x3  }
0x97: {  	_ =	strace s4  }
0x98: {  	_ =	strace $0x8FFFFFFF  }
0x99: {  	s19 =	sld [smem:$0x3FDB];
	_ =	sdelay $0x1  }
0x9a: {  	s5 =	simm.s32 $_scs_section_size  }
0x9b: {  	s6 =	simm.s32 $_size__tile_overlayer_lowered;
	s7 =	simm.s32 $_tile_overlayer_lowered  }
0x9c: {  	s22 =	simm.s32 $0x1BFF;
	s21 =	sshll.u32 s7, $0x1;
	s4 =	sadd.s32 s5, s19  }
0x9d: {  	s8 =	simm.s32 $0x0;
	s20 =	sshll.u32 s6, $0x1;
	s6 =	sadd.s32 s21, s4  }
0x9e: {  	[timem:s8], [sflag:s22] =	dma.local [hbm:s6], s20  }
0x9f: {  	_ =	swait.ge [sflag:s22], s20  }
0xa0: {  	s5 =	ssub.s32 $0x0, s20;
	[sflag:s22] =	ssyncset.done $0x0  }
0xa1: {  	[sflag:s22] =	ssyncadd.s32 s5;
	_ =	sdelay $0x1  }
0xa2: {  	s23 =	simm.s32 $0x1B8B  }
0xa3: {  	_ =	swait.ge [sflag:s23], $0x1  }
0xa4: {  	[sflag:s23] =	ssyncset.done $0x0  }
0xa5: {  	s25 =	simm.s32 $0x1B8E;
	s24 =	sld [smem:$0x3FFE];
	[sflag:s23] =	ssyncadd.s32 $0xFFFFFFFF  }
0xa6: {  	s26 =	simm.s32 $execute0_lowered;
	[smem:$0x3FD2] =	sst s25  }
0xa7: {  	s6 =	sshll.u32 s26, $0x1;
	_ =	strace $0x80000046;
	[dreg:$0x1] =	wrdreg $0xFFFFFFFF  }
0xa8: {  	s28 =	simm.s32 $_size_execute0_lowered;
	s4 =	sadd.s32 s4, s6;
	[dreg:$0x0] =	wrdreg $0x0  }
0xa9: {  	s6 =	sshll.u32 s28, $0x1;
	[dreg:$0x2] =	wrdreg s4  }
0xaa: {  	[dreg:$0x3] =	wrdreg s6  }
0xab: {  	[dreg:$0x4] =	wrdreg $0xC0  }
0xac: {  	_ =	task [dreg:s8], $0x5FFFF  }
0xad: {  	[dreg:$0x1] =	wrdreg $0xFFFFFFFF  }
0xae: {  	[dreg:$0x0] =	wrdreg $0x60  }
0xaf: {  	[dreg:$0x2] =	wrdreg s2  }
0xb0: {  	[dreg:$0x3] =	wrdreg s24  }
0xb1: {  	[dreg:$0x4] =	wrdreg s18  }
0xb2: {  	[dreg:$0x5] =	wrdreg $0x0  }
0xb3: {  	[dreg:$0x6] =	wrdreg $0x9  }
0xb4: {  	_ =	task.clear_ibuf [dreg:s8], $0x7FFFF;
	_ =	strace $0x90000046  }
0xb5: {  	s29 =	simm.s32 $0x9;
	_ =	strace $0x80000048  }
0xb6: {  	_ =	swait.ge [sflag:s29], $0x1  }
0xb7: {  	[sflag:s29] =	ssyncadd.s32 $0xFFFFFFFF  }
0xb8: {  	_ =	strace $0x90000048  }
0xb9: {  	_ =	sfence  }
0xba: {  	s30 =	sld [smem:$0x0];
	_ =	sdelay $0x2  }
0xbb: {  	s31 =	sshll.u32 s1, $0xD;
	s1 =	sshrl.u32 s1, $0x2  }
0xbc: {  	s3 =	sand.u32 $0x4000, s31;
	s1 =	sadd.s32 s1, s30  }
0xbd: {  	s0 =	sor.u32 s3, s0;
	s1 =	sshll.u32 s1, $0x11  }
0xbe: {  	s0 =	sor.u32 s1, s0  }
0xbf: {  	s0 =	sadd.s32 $0x8F2B, s0  }
0xc0: {  	[sflag:s0] =	ssyncadd.remote.s32 $0x1  }
0xc1: {  	_ =	sfence.sel $0xFFFF  }
0xc2: {  	[dreg:$0x0] =	wrdreg $0xFFFFFFFF;
	(pc) =	sbr.abs _section_cstart, $3  }
0xc3: {  	[dreg:$0x1] =	wrdreg $0xFFFFFFFF  }
0xc4: {  	_ =	task.clear_ibuf [dreg:s8], $0x2FFFF;
	_ =	strace $0x9FFFFFFF  }
0xc5: {  	(tm) =	ssettm $0x7FFFFFFF  }
tec
execute0_lowered:
.L_overlay_start_1:
0x0: {  	(tag) =	ssettag $0x1  }
0x1: {  	s1 =	rddreg [dreg:$0x0]  }
0x2: {  	s5 =	rddreg [dreg:$0x1]  }
0x3: {  	s9 =	rddreg [dreg:$0x2]  }
0x4: {  	s2 =	rddreg [dreg:$0x3];
	s3 =	srdreg.scid  }
0x5: {  	s0 =	rddreg [dreg:$0x4];
	s4 =	simm.s32 $0x0;
	s16 =	simm.s32 $0x16800  }
0x6: {  	s17 =	simm.s32 $0x2;
	s18 =	simm.s32 $0x14000;
	s19 =	simm.s32 $0x15400  }
0x7: {  	s20 =	simm.s32 $0x80;
	s21 =	simm.s32 $0x14080;
	s22 =	simm.s32 $0x1A800  }
0x8: {  	s23 =	simm.s32 $0x1;
	s24 =	simm.s32 $0x16700;
	s6 =	sand.u32 $0x1, s3  }
0x9: {  	s25 =	simm.s32 $0x16780;
	s3 =	stileid.u32;
	s7 =	smul.u32 $0x140000, s6  }
0xa: {  	[smem:$0x7FF] =	sst s4;
	s10 =	sadd.s32 $0xA00, s5;
	s8 =	smul.u32 $0x14000, s3  }
0xb: {  	_ =	strace $0x80000047;
	s31 =	smul.u32 $0x50000, s3;
	s11 =	sshll.u32 s6, $0x4  }
0xc: {  	s6 =	ssub.s32 $0x2, s6;
	s11 =	sor.u32 s3, s11;
	s7 =	sadd.s32 s8, s7  }
0xd: {  	s12 =	sshrl.u32 s6, $0x1;
	s11 =	smul.u32 $0x500, s11;
	s7 =	sshrl.u32 s7, $0x3  }
0xe: {  	s8 =	sshrl.u32 s31, $0x2;
	s12 =	ssub.s32 s6, s12;
	s13 =	sadd.s32 s7, s5  }
0xf: {  	s6 =	sadd.s32 s10, s11;
	s7 =	sadd.s32 s9, s11;
	s11 =	sadd.s32 $0x280, s11  }
0x10: {  	s5 =	sadd.s32 s8, s2;
	s8 =	sadd.s32 s10, s11;
	s9 =	sadd.s32 s9, s11  }
0x11: {  	s10 =	sadd.s32 $0xAA00, s13;
	s11 =	smax.u32 s12, $0x1;
	s12 =	sadd.s32 $0x4000, s5  }
0x12: {  	v0 =	vimm.f32 $0.0e+00;
	s13 =	sadd.s32 $0x8000, s5;
	s14 =	sadd.s32 $0xC000, s5;
	s15 =	sadd.s32 $0x10000, s5  }
.LBB2_1:
0x13: {  	s26 =	simm.s32 $0x0;
	s28 =	simm.s32 $0x200  }
.LBB2_2:
0x14: {  	p0 =	sne.s32 s28, $0xFE00;
	[tilespmem:s26+$0x16870] =	vst v0  }
0x15: {  	[tilespmem:s26+$0x16800] =	vst v0  }
0x16: {  	[tilespmem:s26+$0x16810] =	vst v0  }
.Ltmp0:
0x17: {  	[tilespmem:s26+$0x16820] =	vst v0;
	(pc) =	sbr.rel @p0 .LBB2_2-.Ltmp0, $4  }
0x18: {  	[tilespmem:s26+$0x16830] =	vst v0  }
0x19: {  	[tilespmem:s26+$0x16840] =	vst v0  }
0x1a: {  	[tilespmem:s26+$0x16850] =	vst v0  }
0x1b: {  	[tilespmem:s26+$0x16860] =	vst v0;
	s26 =	sshra.s32 s28, $0x2;
	s28 =	sadd.s32 $0x200, s28  }
0x1c: {  	[tilespmem:s26+$0x16870] =	vst v0  }
0x1d: {  	[tilespmem:s26+$0x16800] =	vst v0  }
0x1e: {  	[tilespmem:s26+$0x16810] =	vst v0  }
0x1f: {  	[tilespmem:s26+$0x16820] =	vst v0  }
0x20: {  	[tilespmem:s26+$0x16830] =	vst v0  }
0x21: {  	[tilespmem:s26+$0x16840] =	vst v0  }
0x22: {  	[tilespmem:s26+$0x16850] =	vst v0  }
0x23: {  	[tilespmem:s26+$0x16860] =	vst v0  }
0x24: {  	[spmem:s5] =	stream.linear.scatter [tilespmem:s16], [sflag:$0x2], $0x4000, $0x38;
	[tilespmem:$0x1E800] =	vst v63  }
0x25: {  	_ =	swait.ge [sflag:s17], $0x4000  }
0x26: {  	[sflag:s17] =	ssyncset.done $0x0  }
0x27: {  	[sflag:s17] =	ssyncadd.s32 $0xFFFFC000  }
0x28: {  	[spmem:s12] =	stream.linear.scatter [tilespmem:s16], [sflag:$0x2], $0x4000, $0x38;
	[tilespmem:$0x1E800] =	vst v63  }
0x29: {  	_ =	swait.ge [sflag:s17], $0x4000  }
0x2a: {  	[sflag:s17] =	ssyncset.done $0x0  }
0x2b: {  	[sflag:s17] =	ssyncadd.s32 $0xFFFFC000  }
0x2c: {  	[spmem:s13] =	stream.linear.scatter [tilespmem:s16], [sflag:$0x2], $0x4000, $0x38;
	[tilespmem:$0x1E800] =	vst v63  }
0x2d: {  	_ =	swait.ge [sflag:s17], $0x4000  }
0x2e: {  	[sflag:s17] =	ssyncset.done $0x0  }
0x2f: {  	[sflag:s17] =	ssyncadd.s32 $0xFFFFC000  }
0x30: {  	[spmem:s14] =	stream.linear.scatter [tilespmem:s16], [sflag:$0x2], $0x4000, $0x38;
	[tilespmem:$0x1E800] =	vst v63  }
0x31: {  	_ =	swait.ge [sflag:s17], $0x4000  }
0x32: {  	[sflag:s17] =	ssyncset.done $0x0  }
0x33: {  	[sflag:s17] =	ssyncadd.s32 $0xFFFFC000  }
0x34: {  	[spmem:s15] =	stream.linear.scatter [tilespmem:s16], [sflag:$0x2], $0x4000, $0x38;
	[tilespmem:$0x1E800] =	vst v63  }
0x35: {  	_ =	swait.ge [sflag:s17], $0x4000  }
0x36: {  	[sflag:s17] =	ssyncset.done $0x0  }
0x37: {  	[sflag:s17] =	ssyncadd.s32 $0xFFFFC000  }
0x38: {  	s31 =	simm.s32 $0x0;
	[bflag:$0x0] =	sbarrier.arrive $0xFFFF  }
0x39: {  	[tilespmem:s18], [sflag:$0x2] =	stream.linear.gather [hbm4b:s6+s31], $0x1400, $0x38;
	[tilespmem:$0x1E800] =	vst v63  }
0x3a: {  	_ =	swait.ge [sflag:s17], $0x1400  }
0x3b: {  	[sflag:s17] =	ssyncset.done $0x0  }
0x3c: {  	[sflag:s17] =	ssyncadd.s32 $0xFFFFEC00  }
0x3d: {  	[tilespmem:s19], [sflag:$0x2] =	stream.linear.gather [hbm4b:s7+s31], $0x1400, $0x38;
	[tilespmem:$0x1E800] =	vst v63  }
0x3e: {  	_ =	swait.ge [sflag:s17], $0x1400  }
0x3f: {  	[sflag:s17] =	ssyncset.done $0x0  }
0x40: {  	[sflag:s17] =	ssyncadd.s32 $0xFFFFEC00  }
0x41: {  	[tilespmem:s16], [sflag:$0x1] =	stream.indirect.gather [hbm4b:s1+s20], $0x80, s18, s20, $0xb8;
	[tilespmem:$0x1E800] =	vst v63  }
0x42: {  	_ = 	snop  }
0x43: {  	[tilespmem:s22], [sflag:$0x1] =	stream.indirect.gather [hbm4b:s1+s20], $0x80, s21, s20, $0xb8;
	[tilespmem:$0x1E800] =	vst v63  }
0x44: {  	_ =	swait.ge [sflag:s23], $0x4000  }
0x45: {  	[sflag:s23] =	ssyncset.done $0x0  }
0x46: {  	s29 =	simm.s32 $0x15400;
	[sflag:s23] =	ssyncadd.s32 $0xFFFFC000  }
0x47: {  	[spmem:s2] =	stream.indirect.scatter.add.f32 [tilespmem:s16], [sflag:$0x2], $0x80, s29, s20, $0xb8;
	[tilespmem:$0x1E800] =	vst v63  }
0x48: {  	_ =	swait.ge [sflag:s17], $0x4000  }
0x49: {  	[sflag:s17] =	ssyncset.done $0x0  }
0x4a: {  	s30 =	simm.s32 $0x14100;
	[sflag:s17] =	ssyncadd.s32 $0xFFFFC000  }
0x4b: {  	[tilespmem:s16], [sflag:$0x1] =	stream.indirect.gather [hbm4b:s1+s20], $0x80, s30, s20, $0xb8;
	[tilespmem:$0x1E800] =	vst v63  }
0x4c: {  	_ =	swait.ge [sflag:s23], $0x4000  }
0x4d: {  	[sflag:s23] =	ssyncset.done $0x0  }
0x4e: {  	s31 =	simm.s32 $0x15480;
	[sflag:s23] =	ssyncadd.s32 $0xFFFFC000  }
0x4f: {  	[spmem:s2] =	stream.indirect.scatter.add.f32 [tilespmem:s22], [sflag:$0x2], $0x80, s31, s20, $0xb8;
	[tilespmem:$0x1E800] =	vst v63  }
0x50: {  	_ =	swait.ge [sflag:s17], $0x4000  }
0x51: {  	[sflag:s17] =	ssyncset.done $0x0  }
0x52: {  	s26 =	simm.s32 $0x400;
	s28 =	simm.s32 $0x14180;
	[sflag:s17] =	ssyncadd.s32 $0xFFFFC000  }
.LBB2_4:
0x53: {  	[tilespmem:s22], [sflag:$0x1] =	stream.indirect.gather [hbm4b:s1+s20], $0x80, s28, s20, $0xb8;
	[tilespmem:$0x1E800] =	vst v63  }
0x54: {  	s28 =	smov.u32 s26  }
0x55: {  	p0 =	sne.s32 s26, $0x4800;
	s26 =	sadd.s32 $0x400, s26;
	_ =	swait.ge [sflag:s23], $0x4000  }
0x56: {  	s28 =	sshra.s32 s28, $0x2;
	[sflag:s23] =	ssyncset.done $0x0  }
0x57: {  	s29 =	sadd.s32 $0x15400, s28;
	[sflag:s23] =	ssyncadd.s32 $0xFFFFC000  }
0x58: {  	[spmem:s2] =	stream.indirect.scatter.add.f32 [tilespmem:s16], [sflag:$0x2], $0x80, s29, s20, $0xb8;
	[tilespmem:$0x1E800] =	vst v63  }
0x59: {  	_ =	swait.ge [sflag:s17], $0x4000  }
0x5a: {  	[sflag:s17] =	ssyncset.done $0x0  }
0x5b: {  	s29 =	sadd.s32 $0x14100, s28;
	[sflag:s17] =	ssyncadd.s32 $0xFFFFC000  }
0x5c: {  	[tilespmem:s16], [sflag:$0x1] =	stream.indirect.gather [hbm4b:s1+s20], $0x80, s29, s20, $0xb8;
	[tilespmem:$0x1E800] =	vst v63  }
0x5d: {  	_ =	swait.ge [sflag:s23], $0x4000  }
0x5e: {  	[sflag:s23] =	ssyncset.done $0x0  }
.Ltmp1:
0x5f: {  	s29 =	sadd.s32 $0x15480, s28;
	[sflag:s23] =	ssyncadd.s32 $0xFFFFC000;
	(pc) =	sbr.rel @p0 .LBB2_4-.Ltmp1, $4  }
0x60: {  	[spmem:s2] =	stream.indirect.scatter.add.f32 [tilespmem:s22], [sflag:$0x2], $0x80, s29, s20, $0xb8;
	[tilespmem:$0x1E800] =	vst v63  }
0x61: {  	_ =	swait.ge [sflag:s17], $0x4000  }
0x62: {  	[sflag:s17] =	ssyncset.done $0x0  }
0x63: {  	s28 =	sadd.s32 $0x14180, s28;
	[sflag:s17] =	ssyncadd.s32 $0xFFFFC000  }
0x64: {  	[tilespmem:s22], [sflag:$0x1] =	stream.indirect.gather [hbm4b:s1+s20], $0x80, s28, s20, $0xb8;
	[tilespmem:$0x1E800] =	vst v63  }
0x65: {  	_ =	swait.ge [sflag:s23], $0x4000  }
0x66: {  	[sflag:s23] =	ssyncset.done $0x0  }
0x67: {  	[sflag:s23] =	ssyncadd.s32 $0xFFFFC000  }
0x68: {  	[spmem:s2] =	stream.indirect.scatter.add.f32 [tilespmem:s16], [sflag:$0x2], $0x80, s24, s20, $0xb8;
	[tilespmem:$0x1E800] =	vst v63  }
0x69: {  	_ =	swait.ge [sflag:s17], $0x4000  }
0x6a: {  	[sflag:s17] =	ssyncset.done $0x0  }
0x6b: {  	[sflag:s17] =	ssyncadd.s32 $0xFFFFC000  }
0x6c: {  	_ =	swait.ge [sflag:s23], $0x4000  }
0x6d: {  	[sflag:s23] =	ssyncset.done $0x0  }
0x6e: {  	[sflag:s23] =	ssyncadd.s32 $0xFFFFC000  }
0x6f: {  	[spmem:s2] =	stream.indirect.scatter.add.f32 [tilespmem:s22], [sflag:$0x2], $0x80, s25, s20, $0xb8;
	[tilespmem:$0x1E800] =	vst v63  }
0x70: {  	_ =	swait.ge [sflag:s17], $0x4000  }
0x71: {  	[sflag:s17] =	ssyncset.done $0x0  }
0x72: {  	s26 =	simm.s32 $0x0;
	[sflag:s17] =	ssyncadd.s32 $0xFFFFC000  }
0x73: {  	[tilespmem:s18], [sflag:$0x2] =	stream.linear.gather [hbm4b:s8+s26], $0x1400, $0x38;
	[tilespmem:$0x1E800] =	vst v63  }
0x74: {  	_ =	swait.ge [sflag:s17], $0x1400  }
0x75: {  	[sflag:s17] =	ssyncset.done $0x0  }
0x76: {  	[sflag:s17] =	ssyncadd.s32 $0xFFFFEC00  }
0x77: {  	[tilespmem:s19], [sflag:$0x2] =	stream.linear.gather [hbm4b:s9+s26], $0x1400, $0x38;
	[tilespmem:$0x1E800] =	vst v63  }
0x78: {  	_ =	swait.ge [sflag:s17], $0x1400  }
0x79: {  	[sflag:s17] =	ssyncset.done $0x0  }
0x7a: {  	[sflag:s17] =	ssyncadd.s32 $0xFFFFEC00  }
0x7b: {  	[tilespmem:s16], [sflag:$0x1] =	stream.indirect.gather [hbm4b:s1+s20], $0x80, s18, s20, $0xb8;
	[tilespmem:$0x1E800] =	vst v63  }
0x7c: {  	_ = 	snop  }
0x7d: {  	[tilespmem:s22], [sflag:$0x1] =	stream.indirect.gather [hbm4b:s1+s20], $0x80, s21, s20, $0xb8;
	[tilespmem:$0x1E800] =	vst v63  }
0x7e: {  	_ =	swait.ge [sflag:s23], $0x4000  }
0x7f: {  	[sflag:s23] =	ssyncset.done $0x0  }
0x80: {  	s29 =	simm.s32 $0x15400;
	[sflag:s23] =	ssyncadd.s32 $0xFFFFC000  }
0x81: {  	[spmem:s2] =	stream.indirect.scatter.add.f32 [tilespmem:s16], [sflag:$0x2], $0x80, s29, s20, $0xb8;
	[tilespmem:$0x1E800] =	vst v63  }
0x82: {  	_ =	swait.ge [sflag:s17], $0x4000  }
0x83: {  	[sflag:s17] =	ssyncset.done $0x0  }
0x84: {  	s30 =	simm.s32 $0x14100;
	[sflag:s17] =	ssyncadd.s32 $0xFFFFC000  }
0x85: {  	[tilespmem:s16], [sflag:$0x1] =	stream.indirect.gather [hbm4b:s1+s20], $0x80, s30, s20, $0xb8;
	[tilespmem:$0x1E800] =	vst v63  }
0x86: {  	_ =	swait.ge [sflag:s23], $0x4000  }
0x87: {  	[sflag:s23] =	ssyncset.done $0x0  }
0x88: {  	s31 =	simm.s32 $0x15480;
	[sflag:s23] =	ssyncadd.s32 $0xFFFFC000  }
0x89: {  	[spmem:s2] =	stream.indirect.scatter.add.f32 [tilespmem:s22], [sflag:$0x2], $0x80, s31, s20, $0xb8;
	[tilespmem:$0x1E800] =	vst v63  }
0x8a: {  	_ =	swait.ge [sflag:s17], $0x4000  }
0x8b: {  	[sflag:s17] =	ssyncset.done $0x0  }
0x8c: {  	s28 =	simm.s32 $0x14180;
	s26 =	simm.s32 $0x400;
	[sflag:s17] =	ssyncadd.s32 $0xFFFFC000  }
.LBB2_6:
0x8d: {  	[tilespmem:s22], [sflag:$0x1] =	stream.indirect.gather [hbm4b:s1+s20], $0x80, s28, s20, $0xb8;
	[tilespmem:$0x1E800] =	vst v63  }
0x8e: {  	s28 =	smov.u32 s26  }
0x8f: {  	p0 =	sne.s32 s26, $0x4800;
	s26 =	sadd.s32 $0x400, s26;
	_ =	swait.ge [sflag:s23], $0x4000  }
0x90: {  	s28 =	sshra.s32 s28, $0x2;
	[sflag:s23] =	ssyncset.done $0x0  }
0x91: {  	s29 =	sadd.s32 $0x15400, s28;
	[sflag:s23] =	ssyncadd.s32 $0xFFFFC000  }
0x92: {  	[spmem:s2] =	stream.indirect.scatter.add.f32 [tilespmem:s16], [sflag:$0x2], $0x80, s29, s20, $0xb8;
	[tilespmem:$0x1E800] =	vst v63  }
0x93: {  	_ =	swait.ge [sflag:s17], $0x4000  }
0x94: {  	[sflag:s17] =	ssyncset.done $0x0  }
0x95: {  	s29 =	sadd.s32 $0x14100, s28;
	[sflag:s17] =	ssyncadd.s32 $0xFFFFC000  }
0x96: {  	[tilespmem:s16], [sflag:$0x1] =	stream.indirect.gather [hbm4b:s1+s20], $0x80, s29, s20, $0xb8;
	[tilespmem:$0x1E800] =	vst v63  }
0x97: {  	_ =	swait.ge [sflag:s23], $0x4000  }
0x98: {  	[sflag:s23] =	ssyncset.done $0x0  }
.Ltmp2:
0x99: {  	s29 =	sadd.s32 $0x15480, s28;
	[sflag:s23] =	ssyncadd.s32 $0xFFFFC000;
	(pc) =	sbr.rel @p0 .LBB2_6-.Ltmp2, $4  }
0x9a: {  	[spmem:s2] =	stream.indirect.scatter.add.f32 [tilespmem:s22], [sflag:$0x2], $0x80, s29, s20, $0xb8;
	[tilespmem:$0x1E800] =	vst v63  }
0x9b: {  	_ =	swait.ge [sflag:s17], $0x4000  }
0x9c: {  	[sflag:s17] =	ssyncset.done $0x0  }
0x9d: {  	s28 =	sadd.s32 $0x14180, s28;
	[sflag:s17] =	ssyncadd.s32 $0xFFFFC000  }
0x9e: {  	[tilespmem:s22], [sflag:$0x1] =	stream.indirect.gather [hbm4b:s1+s20], $0x80, s28, s20, $0xb8;
	[tilespmem:$0x1E800] =	vst v63  }
0x9f: {  	_ =	swait.ge [sflag:s23], $0x4000  }
0xa0: {  	[sflag:s23] =	ssyncset.done $0x0  }
0xa1: {  	[sflag:s23] =	ssyncadd.s32 $0xFFFFC000  }
0xa2: {  	[spmem:s2] =	stream.indirect.scatter.add.f32 [tilespmem:s16], [sflag:$0x2], $0x80, s24, s20, $0xb8;
	[tilespmem:$0x1E800] =	vst v63  }
0xa3: {  	_ =	swait.ge [sflag:s17], $0x4000  }
0xa4: {  	[sflag:s17] =	ssyncset.done $0x0  }
0xa5: {  	[sflag:s17] =	ssyncadd.s32 $0xFFFFC000  }
0xa6: {  	_ =	swait.ge [sflag:s23], $0x4000  }
0xa7: {  	[sflag:s23] =	ssyncset.done $0x0  }
0xa8: {  	[sflag:s23] =	ssyncadd.s32 $0xFFFFC000  }
0xa9: {  	[spmem:s2] =	stream.indirect.scatter.add.f32 [tilespmem:s22], [sflag:$0x2], $0x80, s25, s20, $0xb8;
	[tilespmem:$0x1E800] =	vst v63  }
0xaa: {  	_ =	swait.ge [sflag:s17], $0x4000  }
0xab: {  	s26 =	sshll.u32 s3, $0x6;
	s4 =	sadd.s32 $0x1, s4;
	[sflag:s17] =	ssyncset.done $0x0  }
0xac: {  	s31 =	sshrl.u32 s5, $0x3;
	p0 =	sne.s32 s4, s11;
	[sflag:s17] =	ssyncadd.s32 $0xFFFFC000  }
.Ltmp3:
0xad: {  	s26 =	sor.u32 $0x1C02, s26;
	[bflag:$0x0] =	sbarrier.arrive $0xFFFF;
	(pc) =	sbr.rel @p0 .LBB2_1-.Ltmp3, $4  }
0xae: {  	[hbm:s10], [sflag:s26] =	dma.local [spmem:s31], $0x2800  }
0xaf: {  	_ =	swait.ge [sflag:s17], $0x2800  }
0xb0: {  	[sflag:s17] =	ssyncset.done $0x0  }
0xb1: {  	[sflag:s17] =	ssyncadd.s32 $0xFFFFD800  }
0xb2: {  	_ =	sfence.sel $0x180000  }
0xb3: {  	[bflag:$0x0] =	sbarrier.arrive $0xFFFF  }
0xb4: {  	p0 =	sne.s32 s3, $0x0;
	_ =	strace $0x90000047  }
0xb5: {  	s0 =	sadd.s32 @!p0 $0x100000, s0;
	[bflag:$0x2] =	sbarrier.arrive $0xFFFF  }
0xb6: {  	[sflag:s0] =	ssyncadd.tile.s32 @!p0 $0x1;
	_ =	shalt  }
.Lfunc_end2:
_tile_overlayer_lowered:
.L_overlay_start_2:
0xb7: {  	(tag) =	ssettag $0x2  }
0xb8: {  	s0 =	rddreg [dreg:$0x0];
	s2 =	stileid.u32  }
0xb9: {  	s1 =	rddreg [dreg:$0x1];
	p0 =	sne.s32 s2, $0x0  }
0xba: {  	s3 =	rddreg [dreg:$0x2];
	[bflag:$0x3] =	sbarrier.arrive $0xFFFF;
	s2 =	simm.s32 @!p0 $0x1C02  }
0xbb: {  	[timem:s3], [sflag:s2] =	dma.local @!p0 [hbm:s0], s1  }
0xbc: {  	s0 =	simm.s32 @!p0 $0x2  }
0xbd: {  	_ =	swait.ge @!p0 [sflag:s0], s1  }
0xbe: {  	s1 =	ssub.s32 @!p0 $0x0, s1;
	[sflag:s0] =	ssyncset.done @!p0 $0x0  }
0xbf: {  	[sflag:s0] =	ssyncadd.s32 @!p0 s1  }
0xc0: {  	[bflag:$0x3] =	sbarrier.arrive $0xFFFF  }
0xc1: {  	_ =	shalt  }

</sc_bundles>
